<compile_context>
chip_gen: v7x
topology: tpu7x:2x2x1
jax: 0.10.2.dev20260603
libtpu: 0.0.44.dev20260713+nightly
codegen_flags: <defaults>
</compile_context>

<pallas_src>
import functools
import jax
import jax.numpy as jnp
from jax import lax
from jax.experimental import pallas as pl
from jax.experimental.pallas import tpu as pltpu
from jax.experimental.pallas import tpu_sc as plsc

B, N, D = 4096, 200, 64
E = B * N
DO = 4 * D
VOCABS = (5, 3, 4, 9, 9)
NCOMB = 5 * 3 * 4 * 9 * 9
TROWS = 4864
STRIDES = (972, 324, 81, 9, 1)

NC, NS = 2, 16
NW = NC * NS
PER_W = E // NW
CHUNK = 64
NCHUNK = PER_W // CHUNK
NBUF = 4


def _prep_body(shape_r, size_r, color_r, count_r, position_r,
               w_sh, w_sz, w_co, w_ct, w_po, w_proj, b_proj,
               comb_ref, table_ref):
    comb_ref[...] = (shape_r[...] * STRIDES[0] + size_r[...] * STRIDES[1]
                     + color_r[...] * STRIDES[2] + count_r[...] * STRIDES[3]
                     + position_r[...])

    t_sh = jnp.dot(w_sh[...], w_proj[0 * D:1 * D, :], preferred_element_type=jnp.float32)
    t_sz = jnp.dot(w_sz[...], w_proj[1 * D:2 * D, :], preferred_element_type=jnp.float32)
    t_co = jnp.dot(w_co[...], w_proj[2 * D:3 * D, :], preferred_element_type=jnp.float32)
    t_ct = jnp.dot(w_ct[...], w_proj[3 * D:4 * D, :], preferred_element_type=jnp.float32)
    t_po = jnp.dot(w_po[...], w_proj[4 * D:5 * D, :], preferred_element_type=jnp.float32)

    row = lax.broadcasted_iota(jnp.int32, (TROWS, 1), 0)
    acc = jnp.broadcast_to(b_proj[...][None, :], (TROWS, DO))
    for t_f, vocab, stride in (
        (t_sh, 5, 972), (t_sz, 3, 324), (t_co, 4, 81), (t_ct, 9, 9), (t_po, 9, 1)
    ):
        sub = (row // stride) % vocab
        col = lax.broadcasted_iota(jnp.int32, (TROWS, vocab), 1)
        oh = (col == sub).astype(jnp.float32)
        acc = acc + jnp.dot(oh, t_f, preferred_element_type=jnp.float32)
    table_ref[...] = acc


def _prep(shape, size, color, count, position,
          w_sh, w_sz, w_co, w_ct, w_po, w_proj, b_proj):
    return pl.pallas_call(
        _prep_body,
        out_shape=(
            jax.ShapeDtypeStruct((B, N), jnp.int32),
            jax.ShapeDtypeStruct((TROWS, DO), jnp.float32),
        ),
    )(shape, size, color, count, position,
      w_sh, w_sz, w_co, w_ct, w_po, w_proj, b_proj)


def _sc_body(idx_hbm, table_hbm, out_hbm,
             idx_all, rows, gsems, ssems):
    cid = lax.axis_index("c")
    sid = lax.axis_index("s")
    wid = sid * NC + cid
    base = wid * PER_W

    pltpu.sync_copy(idx_hbm.at[wid], idx_all)

    def step(h, carry):
        for b in range(NBUF):
            g = h * NBUF + b

            @pl.when(h > 0)
            def _():
                pltpu.make_async_copy(
                    rows[b], out_hbm.at[pl.ds(base, CHUNK)], ssems[b]).wait()

            pltpu.async_copy(table_hbm.at[idx_all.at[g]], rows[b], gsems[b])
        for b in range(NBUF):
            g = h * NBUF + b
            pltpu.make_async_copy(
                table_hbm.at[idx_all.at[g]], rows[b], gsems[b]).wait()
            pltpu.async_copy(
                rows[b], out_hbm.at[pl.ds(base + g * CHUNK, CHUNK)], ssems[b])
        return carry

    lax.fori_loop(0, NCHUNK // NBUF, step, 0)
    for b in range(NBUF):
        pltpu.make_async_copy(rows[b], out_hbm.at[pl.ds(base, CHUNK)], ssems[b]).wait()


@functools.lru_cache(maxsize=None)
def _sc_gather():
    return pl.kernel(
        _sc_body,
        mesh=plsc.VectorSubcoreMesh(core_axis_name="c", subcore_axis_name="s",
                                    num_cores=NC, num_subcores=NS),
        out_type=jax.ShapeDtypeStruct((E, DO), jnp.float32),
        scratch_types=[
            pltpu.VMEM((NCHUNK, CHUNK), jnp.int32),
            [pltpu.VMEM((CHUNK, DO), jnp.float32) for _ in range(NBUF)],
            [pltpu.SemaphoreType.DMA for _ in range(NBUF)],
            [pltpu.SemaphoreType.DMA for _ in range(NBUF)],
        ],
    )


def kernel(shape, size, color, count, position,
           W_shape, W_size, W_color, W_count, W_position, W_proj, b_proj):
    comb, table = _prep(shape.astype(jnp.int32), size.astype(jnp.int32),
                        color.astype(jnp.int32), count.astype(jnp.int32),
                        position.astype(jnp.int32),
                        W_shape, W_size, W_color, W_count, W_position,
                        W_proj, b_proj)
    out = _sc_gather()(comb.reshape(NW, NCHUNK, CHUNK), table)
    return out.reshape(B, N, DO)

# --- scband reference (transcript-rebuilt; emitter-appended) ---
"""Pipeline reference for scband-symbolic-embedding-27109833572713 (READ-ONLY COPY).

The authoritative reference and input builder live on the scoring server;
editing this copy changes nothing except your own understanding.
"""

import jax, jax.numpy as jnp
import numpy as np


def setup_inputs(seed: int = 0) -> dict:
    key = jax.random.key(seed)
    ks = jax.random.split(key, 12)
    B, N, D = 4096, 200, 64
    inp = {
        "shape": jax.random.randint(ks[0], (B, N), 0, 5, dtype=jnp.int64) if jax.config.jax_enable_x64 else jax.random.randint(ks[0], (B, N), 0, 5),
        "size": jax.random.randint(ks[1], (B, N), 0, 3),
        "color": jax.random.randint(ks[2], (B, N), 0, 4),
        "count": jax.random.randint(ks[3], (B, N), 0, 9),
        "position": jax.random.randint(ks[4], (B, N), 0, 9),
        "W_shape": jax.random.normal(ks[5], (5, D), dtype=jnp.float32) * 0.05,
        "W_size": jax.random.normal(ks[6], (3, D), dtype=jnp.float32) * 0.05,
        "W_color": jax.random.normal(ks[7], (4, D), dtype=jnp.float32) * 0.05,
        "W_count": jax.random.normal(ks[8], (9, D), dtype=jnp.float32) * 0.05,
        "W_position": jax.random.normal(ks[9], (9, D), dtype=jnp.float32) * 0.05,
        "W_proj": jax.random.normal(ks[10], (5 * D, 4 * D), dtype=jnp.float32) * 0.05,
        "b_proj": jnp.zeros((4 * D,), dtype=jnp.float32),
    }
    return inp


def reference(shape, size, color, count, position, W_shape, W_size, W_color, W_count, W_position, W_proj, b_proj):
    # embedding lookups (gather rows from tables)
    shape_emb = jnp.take(W_shape, shape, axis=0)
    size_emb = jnp.take(W_size, size, axis=0)
    color_emb = jnp.take(W_color, color, axis=0)
    count_emb = jnp.take(W_count, count, axis=0)
    position_emb = jnp.take(W_position, position, axis=0)
    combined = jnp.concatenate([shape_emb, size_emb, color_emb, count_emb, position_emb], axis=-1)
    # output projection: Linear(embed_dim*5 -> embed_dim*4)
    return combined @ W_proj + b_proj

if __name__ == "__main__":
    import jax
    _d = setup_inputs()
    print(jax.jit(kernel)(*tuple(_d.values())))

</pallas_src>

<mosaic_0001>
#map = affine_map<(d0, d1) -> (0, 0, 0)>
#map1 = affine_map<(d0, d1) -> (0, 0)>
module attributes {stable_mosaic.version = 14 : i64} {
  func.func @_sc_body(%arg0: i32, %arg1: i32, %arg2: memref<32x400x64xi32, #tpu.memory_space<hbm>>, %arg3: memref<4864x256xf32, #tpu.memory_space<hbm>>, %arg4: memref<819200x256xf32, #tpu.memory_space<hbm>>, %arg5: memref<400x64xi32, #tpu.memory_space<vmem>>, %arg6: memref<64x256xf32, #tpu.memory_space<vmem>>, %arg7: memref<64x256xf32, #tpu.memory_space<vmem>>, %arg8: memref<64x256xf32, #tpu.memory_space<vmem>>, %arg9: memref<64x256xf32, #tpu.memory_space<vmem>>, %arg10: memref<!tpu.dma_semaphore, #tpu.memory_space<semaphore_mem>>, %arg11: memref<!tpu.dma_semaphore, #tpu.memory_space<semaphore_mem>>, %arg12: memref<!tpu.dma_semaphore, #tpu.memory_space<semaphore_mem>>, %arg13: memref<!tpu.dma_semaphore, #tpu.memory_space<semaphore_mem>>, %arg14: memref<!tpu.dma_semaphore, #tpu.memory_space<semaphore_mem>>, %arg15: memref<!tpu.dma_semaphore, #tpu.memory_space<semaphore_mem>>, %arg16: memref<!tpu.dma_semaphore, #tpu.memory_space<semaphore_mem>>, %arg17: memref<!tpu.dma_semaphore, #tpu.memory_space<semaphore_mem>>) attributes {dimension_semantics = [#tpu.dimension_semantics<core_parallel>, #tpu.dimension_semantics<subcore_parallel>], iteration_bounds = array<i64: 2, 16>, scalar_prefetch = 0 : i64, scratch_operands = 13 : i64, tpu.core_type = #tpu.core_type<sc_vector_subcore>, window_params = [{transform_indices = #map}, {transform_indices = #map1}, {transform_indices = #map1}]} {
    %mul3A = arith.constant 2 : i32
    %mul3A_0 = arith.muli %arg1, %mul3A : i32
    %add3A = arith.addi %mul3A_0, %arg0 : i32
    %mul3A_1 = arith.constant 25600 : i32
    %mul3A_2 = arith.muli %add3A, %mul3A_1 : i32
    "tpu.region"() ({
      %run_scoped3A = tpu.sem_alloc : memref<!tpu.dma_semaphore, #tpu.memory_space<semaphore_mem>>
      %dma_start3A = arith.constant 0 : i32
      %dma_start3A_23 = arith.constant 0 : i32
      %dma_start3A_24 = tpu.memref_slice %arg2[%add3A, %dma_start3A, %dma_start3A_23] : memref<32x400x64xi32, #tpu.memory_space<hbm>> -> memref<1x400x64xi32, #tpu.memory_space<hbm>>
      %dma_start3A_25 = tpu.memref_squeeze %dma_start3A_24 : memref<1x400x64xi32, #tpu.memory_space<hbm>> -> memref<400x64xi32, #tpu.memory_space<hbm>>
      %dma_start3A_26 = arith.constant 0 : i32
      %dma_start3A_27 = arith.constant 0 : i32
      %dma_start3A_28 = tpu.memref_slice %arg2[%add3A, %dma_start3A_26, %dma_start3A_27] : memref<32x400x64xi32, #tpu.memory_space<hbm>> -> memref<1x400x64xi32, #tpu.memory_space<hbm>>
      %dma_start3A_29 = tpu.memref_squeeze %dma_start3A_28 : memref<1x400x64xi32, #tpu.memory_space<hbm>> -> memref<400x64xi32, #tpu.memory_space<hbm>>
      tpu.enqueue_dma source(%dma_start3A_29 : memref<400x64xi32, #tpu.memory_space<hbm>>) target(%arg5 : memref<400x64xi32, #tpu.memory_space<vmem>>) target_semaphore(%run_scoped3A : memref<!tpu.dma_semaphore, #tpu.memory_space<semaphore_mem>>)
      %dma_wait3A_30 = arith.constant 0 : i32
      %dma_wait3A_31 = arith.constant 0 : i32
      %dma_wait3A_32 = tpu.memref_slice %arg2[%add3A, %dma_wait3A_30, %dma_wait3A_31] : memref<32x400x64xi32, #tpu.memory_space<hbm>> -> memref<1x400x64xi32, #tpu.memory_space<hbm>>
      %dma_wait3A_33 = tpu.memref_squeeze %dma_wait3A_32 : memref<1x400x64xi32, #tpu.memory_space<hbm>> -> memref<400x64xi32, #tpu.memory_space<hbm>>
      %dma_wait3A_34 = arith.constant 0 : i32
      %dma_wait3A_35 = arith.constant 0 : i32
      %dma_wait3A_36 = tpu.memref_slice %arg2[%add3A, %dma_wait3A_34, %dma_wait3A_35] : memref<32x400x64xi32, #tpu.memory_space<hbm>> -> memref<1x400x64xi32, #tpu.memory_space<hbm>>
      %dma_wait3A_37 = tpu.memref_squeeze %dma_wait3A_36 : memref<1x400x64xi32, #tpu.memory_space<hbm>> -> memref<400x64xi32, #tpu.memory_space<hbm>>
      tpu.wait_dma2 semaphore(%run_scoped3A : memref<!tpu.dma_semaphore, #tpu.memory_space<semaphore_mem>>) src(%dma_wait3A_37 : memref<400x64xi32, #tpu.memory_space<hbm>>) dst(%arg5 : memref<400x64xi32, #tpu.memory_space<vmem>>)
      tpu.yield
    }) : () -> ()
    %scan3A = arith.constant 0 : i32
    %scan3A_3 = arith.constant 0 : i32
    %scan3A_4 = arith.constant 100 : i32
    %scan3A_5 = arith.addi %scan3A_3, %scan3A_4 : i32
    %scan3A_6 = arith.constant 1 : i32
    scf.for %scan3A_23 = %scan3A_3 to %scan3A_5 step %scan3A_6  : i32 {
      %mul3A_24 = arith.constant 4 : i32
      %mul3A_25 = arith.muli %scan3A_23, %mul3A_24 : i32
      %add3A_26 = arith.constant 0 : i32
      %add3A_27 = arith.addi %mul3A_25, %add3A_26 : i32
      %gt3A = arith.constant 0 : i32
      %gt3A_28 = arith.cmpi sgt, %scan3A_23, %gt3A : i32
      %convert_element_type3A = arith.extui %gt3A_28 : i1 to i32
      %cond3A = arith.constant 0 : i32
      %cond3A_29 = arith.cmpi ne, %convert_element_type3A, %cond3A : i32
      scf.if %cond3A_29 {
        %dma_wait3A_148 = arith.constant 0 : i32
        %dma_wait3A_149 = tpu.memref_slice %arg4[%mul3A_2, %dma_wait3A_148] : memref<819200x256xf32, #tpu.memory_space<hbm>> -> memref<64x256xf32, #tpu.memory_space<hbm>>
        %dma_wait3A_150 = arith.constant 0 : i32
        %dma_wait3A_151 = tpu.memref_slice %arg4[%mul3A_2, %dma_wait3A_150] : memref<819200x256xf32, #tpu.memory_space<hbm>> -> memref<64x256xf32, #tpu.memory_space<hbm>>
        tpu.wait_dma2 semaphore(%arg14 : memref<!tpu.dma_semaphore, #tpu.memory_space<semaphore_mem>>) src(%arg6 : memref<64x256xf32, #tpu.memory_space<vmem>>) dst(%dma_wait3A_151 : memref<64x256xf32, #tpu.memory_space<hbm>>)
      } else {
      }
      %dma_start3A = arith.constant 0 : i32
      %dma_start3A_30 = tpu.memref_slice %arg5[%add3A_27, %dma_start3A] : memref<400x64xi32, #tpu.memory_space<vmem>> -> memref<1x64xi32, #tpu.memory_space<vmem>>
      %dma_start3A_31 = tpu.memref_squeeze %dma_start3A_30 : memref<1x64xi32, #tpu.memory_space<vmem>> -> memref<64xi32, #tpu.memory_space<vmem>>
      %dma_start3A_32 = arith.constant 0 : i32
      %dma_start3A_33 = arith.constant 0 : i32
      %dma_start3A_34 = tpu.memref_slice %arg3[%dma_start3A_32, %dma_start3A_33] : memref<4864x256xf32, #tpu.memory_space<hbm>> -> memref<4864x256xf32, #tpu.memory_space<hbm>>
      tpu.enqueue_indirect_dma source(%dma_start3A_34 : memref<4864x256xf32, #tpu.memory_space<hbm>>) target(%arg6 : memref<64x256xf32, #tpu.memory_space<vmem>>) offsets(%dma_start3A_31 : memref<64xi32, #tpu.memory_space<vmem>>) semaphore(%arg10 : memref<!tpu.dma_semaphore, #tpu.memory_space<semaphore_mem>>)
      %mul3A_35 = arith.constant 4 : i32
      %mul3A_36 = arith.muli %scan3A_23, %mul3A_35 : i32
      %add3A_37 = arith.constant 1 : i32
      %add3A_38 = arith.addi %mul3A_36, %add3A_37 : i32
      %gt3A_39 = arith.constant 0 : i32
      %gt3A_40 = arith.cmpi sgt, %scan3A_23, %gt3A_39 : i32
      %convert_element_type3A_41 = arith.extui %gt3A_40 : i1 to i32
      %cond3A_42 = arith.constant 0 : i32
      %cond3A_43 = arith.cmpi ne, %convert_element_type3A_41, %cond3A_42 : i32
      scf.if %cond3A_43 {
        %dma_wait3A_148 = arith.constant 0 : i32
        %dma_wait3A_149 = tpu.memref_slice %arg4[%mul3A_2, %dma_wait3A_148] : memref<819200x256xf32, #tpu.memory_space<hbm>> -> memref<64x256xf32, #tpu.memory_space<hbm>>
        %dma_wait3A_150 = arith.constant 0 : i32
        %dma_wait3A_151 = tpu.memref_slice %arg4[%mul3A_2, %dma_wait3A_150] : memref<819200x256xf32, #tpu.memory_space<hbm>> -> memref<64x256xf32, #tpu.memory_space<hbm>>
        tpu.wait_dma2 semaphore(%arg15 : memref<!tpu.dma_semaphore, #tpu.memory_space<semaphore_mem>>) src(%arg7 : memref<64x256xf32, #tpu.memory_space<vmem>>) dst(%dma_wait3A_151 : memref<64x256xf32, #tpu.memory_space<hbm>>)
      } else {
      }
      %dma_start3A_44 = arith.constant 0 : i32
      %dma_start3A_45 = tpu.memref_slice %arg5[%add3A_38, %dma_start3A_44] : memref<400x64xi32, #tpu.memory_space<vmem>> -> memref<1x64xi32, #tpu.memory_space<vmem>>
      %dma_start3A_46 = tpu.memref_squeeze %dma_start3A_45 : memref<1x64xi32, #tpu.memory_space<vmem>> -> memref<64xi32, #tpu.memory_space<vmem>>
      %dma_start3A_47 = arith.constant 0 : i32
      %dma_start3A_48 = arith.constant 0 : i32
      %dma_start3A_49 = tpu.memref_slice %arg3[%dma_start3A_47, %dma_start3A_48] : memref<4864x256xf32, #tpu.memory_space<hbm>> -> memref<4864x256xf32, #tpu.memory_space<hbm>>
      tpu.enqueue_indirect_dma source(%dma_start3A_49 : memref<4864x256xf32, #tpu.memory_space<hbm>>) target(%arg7 : memref<64x256xf32, #tpu.memory_space<vmem>>) offsets(%dma_start3A_46 : memref<64xi32, #tpu.memory_space<vmem>>) semaphore(%arg11 : memref<!tpu.dma_semaphore, #tpu.memory_space<semaphore_mem>>)
      %mul3A_50 = arith.constant 4 : i32
      %mul3A_51 = arith.muli %scan3A_23, %mul3A_50 : i32
      %add3A_52 = arith.constant 2 : i32
      %add3A_53 = arith.addi %mul3A_51, %add3A_52 : i32
      %gt3A_54 = arith.constant 0 : i32
      %gt3A_55 = arith.cmpi sgt, %scan3A_23, %gt3A_54 : i32
      %convert_element_type3A_56 = arith.extui %gt3A_55 : i1 to i32
      %cond3A_57 = arith.constant 0 : i32
      %cond3A_58 = arith.cmpi ne, %convert_element_type3A_56, %cond3A_57 : i32
      scf.if %cond3A_58 {
        %dma_wait3A_148 = arith.constant 0 : i32
        %dma_wait3A_149 = tpu.memref_slice %arg4[%mul3A_2, %dma_wait3A_148] : memref<819200x256xf32, #tpu.memory_space<hbm>> -> memref<64x256xf32, #tpu.memory_space<hbm>>
        %dma_wait3A_150 = arith.constant 0 : i32
        %dma_wait3A_151 = tpu.memref_slice %arg4[%mul3A_2, %dma_wait3A_150] : memref<819200x256xf32, #tpu.memory_space<hbm>> -> memref<64x256xf32, #tpu.memory_space<hbm>>
        tpu.wait_dma2 semaphore(%arg16 : memref<!tpu.dma_semaphore, #tpu.memory_space<semaphore_mem>>) src(%arg8 : memref<64x256xf32, #tpu.memory_space<vmem>>) dst(%dma_wait3A_151 : memref<64x256xf32, #tpu.memory_space<hbm>>)
      } else {
      }
      %dma_start3A_59 = arith.constant 0 : i32
      %dma_start3A_60 = tpu.memref_slice %arg5[%add3A_53, %dma_start3A_59] : memref<400x64xi32, #tpu.memory_space<vmem>> -> memref<1x64xi32, #tpu.memory_space<vmem>>
      %dma_start3A_61 = tpu.memref_squeeze %dma_start3A_60 : memref<1x64xi32, #tpu.memory_space<vmem>> -> memref<64xi32, #tpu.memory_space<vmem>>
      %dma_start3A_62 = arith.constant 0 : i32
      %dma_start3A_63 = arith.constant 0 : i32
      %dma_start3A_64 = tpu.memref_slice %arg3[%dma_start3A_62, %dma_start3A_63] : memref<4864x256xf32, #tpu.memory_space<hbm>> -> memref<4864x256xf32, #tpu.memory_space<hbm>>
      tpu.enqueue_indirect_dma source(%dma_start3A_64 : memref<4864x256xf32, #tpu.memory_space<hbm>>) target(%arg8 : memref<64x256xf32, #tpu.memory_space<vmem>>) offsets(%dma_start3A_61 : memref<64xi32, #tpu.memory_space<vmem>>) semaphore(%arg12 : memref<!tpu.dma_semaphore, #tpu.memory_space<semaphore_mem>>)
      %mul3A_65 = arith.constant 4 : i32
      %mul3A_66 = arith.muli %scan3A_23, %mul3A_65 : i32
      %add3A_67 = arith.constant 3 : i32
      %add3A_68 = arith.addi %mul3A_66, %add3A_67 : i32
      %gt3A_69 = arith.constant 0 : i32
      %gt3A_70 = arith.cmpi sgt, %scan3A_23, %gt3A_69 : i32
      %convert_element_type3A_71 = arith.extui %gt3A_70 : i1 to i32
      %cond3A_72 = arith.constant 0 : i32
      %cond3A_73 = arith.cmpi ne, %convert_element_type3A_71, %cond3A_72 : i32
      scf.if %cond3A_73 {
        %dma_wait3A_148 = arith.constant 0 : i32
        %dma_wait3A_149 = tpu.memref_slice %arg4[%mul3A_2, %dma_wait3A_148] : memref<819200x256xf32, #tpu.memory_space<hbm>> -> memref<64x256xf32, #tpu.memory_space<hbm>>
        %dma_wait3A_150 = arith.constant 0 : i32
        %dma_wait3A_151 = tpu.memref_slice %arg4[%mul3A_2, %dma_wait3A_150] : memref<819200x256xf32, #tpu.memory_space<hbm>> -> memref<64x256xf32, #tpu.memory_space<hbm>>
        tpu.wait_dma2 semaphore(%arg17 : memref<!tpu.dma_semaphore, #tpu.memory_space<semaphore_mem>>) src(%arg9 : memref<64x256xf32, #tpu.memory_space<vmem>>) dst(%dma_wait3A_151 : memref<64x256xf32, #tpu.memory_space<hbm>>)
      } else {
      }
      %dma_start3A_74 = arith.constant 0 : i32
      %dma_start3A_75 = tpu.memref_slice %arg5[%add3A_68, %dma_start3A_74] : memref<400x64xi32, #tpu.memory_space<vmem>> -> memref<1x64xi32, #tpu.memory_space<vmem>>
      %dma_start3A_76 = tpu.memref_squeeze %dma_start3A_75 : memref<1x64xi32, #tpu.memory_space<vmem>> -> memref<64xi32, #tpu.memory_space<vmem>>
      %dma_start3A_77 = arith.constant 0 : i32
      %dma_start3A_78 = arith.constant 0 : i32
      %dma_start3A_79 = tpu.memref_slice %arg3[%dma_start3A_77, %dma_start3A_78] : memref<4864x256xf32, #tpu.memory_space<hbm>> -> memref<4864x256xf32, #tpu.memory_space<hbm>>
      tpu.enqueue_indirect_dma source(%dma_start3A_79 : memref<4864x256xf32, #tpu.memory_space<hbm>>) target(%arg9 : memref<64x256xf32, #tpu.memory_space<vmem>>) offsets(%dma_start3A_76 : memref<64xi32, #tpu.memory_space<vmem>>) semaphore(%arg13 : memref<!tpu.dma_semaphore, #tpu.memory_space<semaphore_mem>>)
      %mul3A_80 = arith.constant 4 : i32
      %mul3A_81 = arith.muli %scan3A_23, %mul3A_80 : i32
      %add3A_82 = arith.constant 0 : i32
      %add3A_83 = arith.addi %mul3A_81, %add3A_82 : i32
      %dma_wait3A_84 = arith.constant 0 : i32
      %dma_wait3A_85 = tpu.memref_slice %arg5[%add3A_83, %dma_wait3A_84] : memref<400x64xi32, #tpu.memory_space<vmem>> -> memref<1x64xi32, #tpu.memory_space<vmem>>
      %dma_wait3A_86 = tpu.memref_squeeze %dma_wait3A_85 : memref<1x64xi32, #tpu.memory_space<vmem>> -> memref<64xi32, #tpu.memory_space<vmem>>
      %dma_wait3A_87 = arith.constant 0 : i32
      %dma_wait3A_88 = arith.constant 0 : i32
      %dma_wait3A_89 = tpu.memref_slice %arg3[%dma_wait3A_87, %dma_wait3A_88] : memref<4864x256xf32, #tpu.memory_space<hbm>> -> memref<4864x256xf32, #tpu.memory_space<hbm>>
      tpu.wait_indirect_dma semaphore(%arg10 : memref<!tpu.dma_semaphore, #tpu.memory_space<semaphore_mem>>) src(%dma_wait3A_89 : memref<4864x256xf32, #tpu.memory_space<hbm>>) dst(%arg6 : memref<64x256xf32, #tpu.memory_space<vmem>>)
      %mul3A_90 = arith.constant 64 : i32
      %mul3A_91 = arith.muli %add3A_83, %mul3A_90 : i32
      %add3A_92 = arith.addi %mul3A_2, %mul3A_91 : i32
      %dma_start3A_93 = arith.constant 0 : i32
      %dma_start3A_94 = tpu.memref_slice %arg4[%add3A_92, %dma_start3A_93] : memref<819200x256xf32, #tpu.memory_space<hbm>> -> memref<64x256xf32, #tpu.memory_space<hbm>>
      %dma_start3A_95 = arith.constant 0 : i32
      %dma_start3A_96 = tpu.memref_slice %arg4[%add3A_92, %dma_start3A_95] : memref<819200x256xf32, #tpu.memory_space<hbm>> -> memref<64x256xf32, #tpu.memory_space<hbm>>
      tpu.enqueue_dma source(%arg6 : memref<64x256xf32, #tpu.memory_space<vmem>>) target(%dma_start3A_96 : memref<64x256xf32, #tpu.memory_space<hbm>>) target_semaphore(%arg14 : memref<!tpu.dma_semaphore, #tpu.memory_space<semaphore_mem>>)
      %mul3A_97 = arith.constant 4 : i32
      %mul3A_98 = arith.muli %scan3A_23, %mul3A_97 : i32
      %add3A_99 = arith.constant 1 : i32
      %add3A_100 = arith.addi %mul3A_98, %add3A_99 : i32
      %dma_wait3A_101 = arith.constant 0 : i32
      %dma_wait3A_102 = tpu.memref_slice %arg5[%add3A_100, %dma_wait3A_101] : memref<400x64xi32, #tpu.memory_space<vmem>> -> memref<1x64xi32, #tpu.memory_space<vmem>>
      %dma_wait3A_103 = tpu.memref_squeeze %dma_wait3A_102 : memref<1x64xi32, #tpu.memory_space<vmem>> -> memref<64xi32, #tpu.memory_space<vmem>>
      %dma_wait3A_104 = arith.constant 0 : i32
      %dma_wait3A_105 = arith.constant 0 : i32
      %dma_wait3A_106 = tpu.memref_slice %arg3[%dma_wait3A_104, %dma_wait3A_105] : memref<4864x256xf32, #tpu.memory_space<hbm>> -> memref<4864x256xf32, #tpu.memory_space<hbm>>
      tpu.wait_indirect_dma semaphore(%arg11 : memref<!tpu.dma_semaphore, #tpu.memory_space<semaphore_mem>>) src(%dma_wait3A_106 : memref<4864x256xf32, #tpu.memory_space<hbm>>) dst(%arg7 : memref<64x256xf32, #tpu.memory_space<vmem>>)
      %mul3A_107 = arith.constant 64 : i32
      %mul3A_108 = arith.muli %add3A_100, %mul3A_107 : i32
      %add3A_109 = arith.addi %mul3A_2, %mul3A_108 : i32
      %dma_start3A_110 = arith.constant 0 : i32
      %dma_start3A_111 = tpu.memref_slice %arg4[%add3A_109, %dma_start3A_110] : memref<819200x256xf32, #tpu.memory_space<hbm>> -> memref<64x256xf32, #tpu.memory_space<hbm>>
      %dma_start3A_112 = arith.constant 0 : i32
      %dma_start3A_113 = tpu.memref_slice %arg4[%add3A_109, %dma_start3A_112] : memref<819200x256xf32, #tpu.memory_space<hbm>> -> memref<64x256xf32, #tpu.memory_space<hbm>>
      tpu.enqueue_dma source(%arg7 : memref<64x256xf32, #tpu.memory_space<vmem>>) target(%dma_start3A_113 : memref<64x256xf32, #tpu.memory_space<hbm>>) target_semaphore(%arg15 : memref<!tpu.dma_semaphore, #tpu.memory_space<semaphore_mem>>)
      %mul3A_114 = arith.constant 4 : i32
      %mul3A_115 = arith.muli %scan3A_23, %mul3A_114 : i32
      %add3A_116 = arith.constant 2 : i32
      %add3A_117 = arith.addi %mul3A_115, %add3A_116 : i32
      %dma_wait3A_118 = arith.constant 0 : i32
      %dma_wait3A_119 = tpu.memref_slice %arg5[%add3A_117, %dma_wait3A_118] : memref<400x64xi32, #tpu.memory_space<vmem>> -> memref<1x64xi32, #tpu.memory_space<vmem>>
      %dma_wait3A_120 = tpu.memref_squeeze %dma_wait3A_119 : memref<1x64xi32, #tpu.memory_space<vmem>> -> memref<64xi32, #tpu.memory_space<vmem>>
      %dma_wait3A_121 = arith.constant 0 : i32
      %dma_wait3A_122 = arith.constant 0 : i32
      %dma_wait3A_123 = tpu.memref_slice %arg3[%dma_wait3A_121, %dma_wait3A_122] : memref<4864x256xf32, #tpu.memory_space<hbm>> -> memref<4864x256xf32, #tpu.memory_space<hbm>>
      tpu.wait_indirect_dma semaphore(%arg12 : memref<!tpu.dma_semaphore, #tpu.memory_space<semaphore_mem>>) src(%dma_wait3A_123 : memref<4864x256xf32, #tpu.memory_space<hbm>>) dst(%arg8 : memref<64x256xf32, #tpu.memory_space<vmem>>)
      %mul3A_124 = arith.constant 64 : i32
      %mul3A_125 = arith.muli %add3A_117, %mul3A_124 : i32
      %add3A_126 = arith.addi %mul3A_2, %mul3A_125 : i32
      %dma_start3A_127 = arith.constant 0 : i32
      %dma_start3A_128 = tpu.memref_slice %arg4[%add3A_126, %dma_start3A_127] : memref<819200x256xf32, #tpu.memory_space<hbm>> -> memref<64x256xf32, #tpu.memory_space<hbm>>
      %dma_start3A_129 = arith.constant 0 : i32
      %dma_start3A_130 = tpu.memref_slice %arg4[%add3A_126, %dma_start3A_129] : memref<819200x256xf32, #tpu.memory_space<hbm>> -> memref<64x256xf32, #tpu.memory_space<hbm>>
      tpu.enqueue_dma source(%arg8 : memref<64x256xf32, #tpu.memory_space<vmem>>) target(%dma_start3A_130 : memref<64x256xf32, #tpu.memory_space<hbm>>) target_semaphore(%arg16 : memref<!tpu.dma_semaphore, #tpu.memory_space<semaphore_mem>>)
      %mul3A_131 = arith.constant 4 : i32
      %mul3A_132 = arith.muli %scan3A_23, %mul3A_131 : i32
      %add3A_133 = arith.constant 3 : i32
      %add3A_134 = arith.addi %mul3A_132, %add3A_133 : i32
      %dma_wait3A_135 = arith.constant 0 : i32
      %dma_wait3A_136 = tpu.memref_slice %arg5[%add3A_134, %dma_wait3A_135] : memref<400x64xi32, #tpu.memory_space<vmem>> -> memref<1x64xi32, #tpu.memory_space<vmem>>
      %dma_wait3A_137 = tpu.memref_squeeze %dma_wait3A_136 : memref<1x64xi32, #tpu.memory_space<vmem>> -> memref<64xi32, #tpu.memory_space<vmem>>
      %dma_wait3A_138 = arith.constant 0 : i32
      %dma_wait3A_139 = arith.constant 0 : i32
      %dma_wait3A_140 = tpu.memref_slice %arg3[%dma_wait3A_138, %dma_wait3A_139] : memref<4864x256xf32, #tpu.memory_space<hbm>> -> memref<4864x256xf32, #tpu.memory_space<hbm>>
      tpu.wait_indirect_dma semaphore(%arg13 : memref<!tpu.dma_semaphore, #tpu.memory_space<semaphore_mem>>) src(%dma_wait3A_140 : memref<4864x256xf32, #tpu.memory_space<hbm>>) dst(%arg9 : memref<64x256xf32, #tpu.memory_space<vmem>>)
      %mul3A_141 = arith.constant 64 : i32
      %mul3A_142 = arith.muli %add3A_134, %mul3A_141 : i32
      %add3A_143 = arith.addi %mul3A_2, %mul3A_142 : i32
      %dma_start3A_144 = arith.constant 0 : i32
      %dma_start3A_145 = tpu.memref_slice %arg4[%add3A_143, %dma_start3A_144] : memref<819200x256xf32, #tpu.memory_space<hbm>> -> memref<64x256xf32, #tpu.memory_space<hbm>>
      %dma_start3A_146 = arith.constant 0 : i32
      %dma_start3A_147 = tpu.memref_slice %arg4[%add3A_143, %dma_start3A_146] : memref<819200x256xf32, #tpu.memory_space<hbm>> -> memref<64x256xf32, #tpu.memory_space<hbm>>
      tpu.enqueue_dma source(%arg9 : memref<64x256xf32, #tpu.memory_space<vmem>>) target(%dma_start3A_147 : memref<64x256xf32, #tpu.memory_space<hbm>>) target_semaphore(%arg17 : memref<!tpu.dma_semaphore, #tpu.memory_space<semaphore_mem>>)
    }
    %scan3A_7 = arith.constant 100 : i32
    %dma_wait3A = arith.constant 0 : i32
    %dma_wait3A_8 = tpu.memref_slice %arg4[%mul3A_2, %dma_wait3A] : memref<819200x256xf32, #tpu.memory_space<hbm>> -> memref<64x256xf32, #tpu.memory_space<hbm>>
    %dma_wait3A_9 = arith.constant 0 : i32
    %dma_wait3A_10 = tpu.memref_slice %arg4[%mul3A_2, %dma_wait3A_9] : memref<819200x256xf32, #tpu.memory_space<hbm>> -> memref<64x256xf32, #tpu.memory_space<hbm>>
    tpu.wait_dma2 semaphore(%arg14 : memref<!tpu.dma_semaphore, #tpu.memory_space<semaphore_mem>>) src(%arg6 : memref<64x256xf32, #tpu.memory_space<vmem>>) dst(%dma_wait3A_10 : memref<64x256xf32, #tpu.memory_space<hbm>>)
    %dma_wait3A_11 = arith.constant 0 : i32
    %dma_wait3A_12 = tpu.memref_slice %arg4[%mul3A_2, %dma_wait3A_11] : memref<819200x256xf32, #tpu.memory_space<hbm>> -> memref<64x256xf32, #tpu.memory_space<hbm>>
    %dma_wait3A_13 = arith.constant 0 : i32
    %dma_wait3A_14 = tpu.memref_slice %arg4[%mul3A_2, %dma_wait3A_13] : memref<819200x256xf32, #tpu.memory_space<hbm>> -> memref<64x256xf32, #tpu.memory_space<hbm>>
    tpu.wait_dma2 semaphore(%arg15 : memref<!tpu.dma_semaphore, #tpu.memory_space<semaphore_mem>>) src(%arg7 : memref<64x256xf32, #tpu.memory_space<vmem>>) dst(%dma_wait3A_14 : memref<64x256xf32, #tpu.memory_space<hbm>>)
    %dma_wait3A_15 = arith.constant 0 : i32
    %dma_wait3A_16 = tpu.memref_slice %arg4[%mul3A_2, %dma_wait3A_15] : memref<819200x256xf32, #tpu.memory_space<hbm>> -> memref<64x256xf32, #tpu.memory_space<hbm>>
    %dma_wait3A_17 = arith.constant 0 : i32
    %dma_wait3A_18 = tpu.memref_slice %arg4[%mul3A_2, %dma_wait3A_17] : memref<819200x256xf32, #tpu.memory_space<hbm>> -> memref<64x256xf32, #tpu.memory_space<hbm>>
    tpu.wait_dma2 semaphore(%arg16 : memref<!tpu.dma_semaphore, #tpu.memory_space<semaphore_mem>>) src(%arg8 : memref<64x256xf32, #tpu.memory_space<vmem>>) dst(%dma_wait3A_18 : memref<64x256xf32, #tpu.memory_space<hbm>>)
    %dma_wait3A_19 = arith.constant 0 : i32
    %dma_wait3A_20 = tpu.memref_slice %arg4[%mul3A_2, %dma_wait3A_19] : memref<819200x256xf32, #tpu.memory_space<hbm>> -> memref<64x256xf32, #tpu.memory_space<hbm>>
    %dma_wait3A_21 = arith.constant 0 : i32
    %dma_wait3A_22 = tpu.memref_slice %arg4[%mul3A_2, %dma_wait3A_21] : memref<819200x256xf32, #tpu.memory_space<hbm>> -> memref<64x256xf32, #tpu.memory_space<hbm>>
    tpu.wait_dma2 semaphore(%arg17 : memref<!tpu.dma_semaphore, #tpu.memory_space<semaphore_mem>>) src(%arg9 : memref<64x256xf32, #tpu.memory_space<vmem>>) dst(%dma_wait3A_22 : memref<64x256xf32, #tpu.memory_space<hbm>>)
    return
  }
}

module attributes {stable_mosaic.version = 14 : i64} {
  func.func @_prep_body(%arg0: memref<4096x200xi32, #tpu.memory_space<vmem>>, %arg1: memref<4096x200xi32, #tpu.memory_space<vmem>>, %arg2: memref<4096x200xi32, #tpu.memory_space<vmem>>, %arg3: memref<4096x200xi32, #tpu.memory_space<vmem>>, %arg4: memref<4096x200xi32, #tpu.memory_space<vmem>>, %arg5: memref<5x64xf32, #tpu.memory_space<vmem>>, %arg6: memref<3x64xf32, #tpu.memory_space<vmem>>, %arg7: memref<4x64xf32, #tpu.memory_space<vmem>>, %arg8: memref<9x64xf32, #tpu.memory_space<vmem>>, %arg9: memref<9x64xf32, #tpu.memory_space<vmem>>, %arg10: memref<320x256xf32, #tpu.memory_space<vmem>>, %arg11: memref<256xf32, #tpu.memory_space<vmem>>, %arg12: memref<4096x200xi32, #tpu.memory_space<vmem>>, %arg13: memref<4864x256xf32, #tpu.memory_space<vmem>>) attributes {dimension_semantics = [], scalar_prefetch = 0 : i64, scratch_operands = 0 : i64, tpu.core_type = #tpu.core_type<tc>} {
    %get3A = arith.constant 0 : index
    %get3A_0 = arith.constant 0 : index
    %get3A_1 = vector.load %arg0[%get3A, %get3A_0] : memref<4096x200xi32, #tpu.memory_space<vmem>>, vector<4096x200xi32>
    %mul3A = arith.constant 972 : i32
    %mul3A_2 = vector.broadcast %mul3A : i32 to vector<4096x200xi32>
    %mul3A_3 = arith.muli %get3A_1, %mul3A_2 : vector<4096x200xi32>
    %get3A_4 = arith.constant 0 : index
    %get3A_5 = arith.constant 0 : index
    %get3A_6 = vector.load %arg1[%get3A_4, %get3A_5] : memref<4096x200xi32, #tpu.memory_space<vmem>>, vector<4096x200xi32>
    %mul3A_7 = arith.constant 324 : i32
    %mul3A_8 = vector.broadcast %mul3A_7 : i32 to vector<4096x200xi32>
    %mul3A_9 = arith.muli %get3A_6, %mul3A_8 : vector<4096x200xi32>
    %add3A = arith.addi %mul3A_3, %mul3A_9 : vector<4096x200xi32>
    %get3A_10 = arith.constant 0 : index
    %get3A_11 = arith.constant 0 : index
    %get3A_12 = vector.load %arg2[%get3A_10, %get3A_11] : memref<4096x200xi32, #tpu.memory_space<vmem>>, vector<4096x200xi32>
    %mul3A_13 = arith.constant 81 : i32
    %mul3A_14 = vector.broadcast %mul3A_13 : i32 to vector<4096x200xi32>
    %mul3A_15 = arith.muli %get3A_12, %mul3A_14 : vector<4096x200xi32>
    %add3A_16 = arith.addi %add3A, %mul3A_15 : vector<4096x200xi32>
    %get3A_17 = arith.constant 0 : index
    %get3A_18 = arith.constant 0 : index
    %get3A_19 = vector.load %arg3[%get3A_17, %get3A_18] : memref<4096x200xi32, #tpu.memory_space<vmem>>, vector<4096x200xi32>
    %mul3A_20 = arith.constant 9 : i32
    %mul3A_21 = vector.broadcast %mul3A_20 : i32 to vector<4096x200xi32>
    %mul3A_22 = arith.muli %get3A_19, %mul3A_21 : vector<4096x200xi32>
    %add3A_23 = arith.addi %add3A_16, %mul3A_22 : vector<4096x200xi32>
    %get3A_24 = arith.constant 0 : index
    %get3A_25 = arith.constant 0 : index
    %get3A_26 = vector.load %arg4[%get3A_24, %get3A_25] : memref<4096x200xi32, #tpu.memory_space<vmem>>, vector<4096x200xi32>
    %add3A_27 = arith.addi %add3A_23, %get3A_26 : vector<4096x200xi32>
    %swap3A = arith.constant 0 : index
    %swap3A_28 = arith.constant 0 : index
    %swap3A_29 = vector.load %arg12[%swap3A, %swap3A_28] : memref<4096x200xi32, #tpu.memory_space<vmem>>, vector<4096x200xi32>
    tpu.vector_store %arg12[%swap3A, %swap3A_28], %add3A_27 {strides = array<i32>} : memref<4096x200xi32, #tpu.memory_space<vmem>>, vector<4096x200xi32>,
    %get3A_30 = arith.constant 0 : index
    %get3A_31 = arith.constant 0 : index
    %get3A_32 = vector.load %arg5[%get3A_30, %get3A_31] : memref<5x64xf32, #tpu.memory_space<vmem>>, vector<5x64xf32>
    %get3A_33 = arith.constant 0 : index
    %get3A_34 = arith.constant 0 : index
    %get3A_35 = vector.load %arg10[%get3A_33, %get3A_34] : memref<320x256xf32, #tpu.memory_space<vmem>>, vector<64x256xf32>
    %dot_general3A = arith.constant dense<0.000000e+00> : vector<5x256xf32>
    %dot_general3A_36 = tpu.matmul %get3A_32, %get3A_35, %dot_general3A {dimension_numbers = #tpu.dot_dimension_numbers<[1], [0], [0], [1], [0, 0, 1, 1], [], []>, transpose_lhs_hint = false} : vector<5x64xf32>, vector<64x256xf32>, vector<5x256xf32> -> vector<5x256xf32>
    %get3A_37 = arith.constant 0 : index
    %get3A_38 = arith.constant 0 : index
    %get3A_39 = vector.load %arg6[%get3A_37, %get3A_38] : memref<3x64xf32, #tpu.memory_space<vmem>>, vector<3x64xf32>
    %get3A_40 = arith.constant 64 : index
    %get3A_41 = arith.constant 0 : index
    %get3A_42 = vector.load %arg10[%get3A_40, %get3A_41] : memref<320x256xf32, #tpu.memory_space<vmem>>, vector<64x256xf32>
    %dot_general3A_43 = arith.constant dense<0.000000e+00> : vector<3x256xf32>
    %dot_general3A_44 = tpu.matmul %get3A_39, %get3A_42, %dot_general3A_43 {dimension_numbers = #tpu.dot_dimension_numbers<[1], [0], [0], [1], [0, 0, 1, 1], [], []>, transpose_lhs_hint = false} : vector<3x64xf32>, vector<64x256xf32>, vector<3x256xf32> -> vector<3x256xf32>
    %get3A_45 = arith.constant 0 : index
    %get3A_46 = arith.constant 0 : index
    %get3A_47 = vector.load %arg7[%get3A_45, %get3A_46] : memref<4x64xf32, #tpu.memory_space<vmem>>, vector<4x64xf32>
    %get3A_48 = arith.constant 128 : index
    %get3A_49 = arith.constant 0 : index
    %get3A_50 = vector.load %arg10[%get3A_48, %get3A_49] : memref<320x256xf32, #tpu.memory_space<vmem>>, vector<64x256xf32>
    %dot_general3A_51 = arith.constant dense<0.000000e+00> : vector<4x256xf32>
    %dot_general3A_52 = tpu.matmul %get3A_47, %get3A_50, %dot_general3A_51 {dimension_numbers = #tpu.dot_dimension_numbers<[1], [0], [0], [1], [0, 0, 1, 1], [], []>, transpose_lhs_hint = false} : vector<4x64xf32>, vector<64x256xf32>, vector<4x256xf32> -> vector<4x256xf32>
    %get3A_53 = arith.constant 0 : index
    %get3A_54 = arith.constant 0 : index
    %get3A_55 = vector.load %arg8[%get3A_53, %get3A_54] : memref<9x64xf32, #tpu.memory_space<vmem>>, vector<9x64xf32>
    %get3A_56 = arith.constant 192 : index
    %get3A_57 = arith.constant 0 : index
    %get3A_58 = vector.load %arg10[%get3A_56, %get3A_57] : memref<320x256xf32, #tpu.memory_space<vmem>>, vector<64x256xf32>
    %dot_general3A_59 = arith.constant dense<0.000000e+00> : vector<9x256xf32>
    %dot_general3A_60 = tpu.matmul %get3A_55, %get3A_58, %dot_general3A_59 {dimension_numbers = #tpu.dot_dimension_numbers<[1], [0], [0], [1], [0, 0, 1, 1], [], []>, transpose_lhs_hint = false} : vector<9x64xf32>, vector<64x256xf32>, vector<9x256xf32> -> vector<9x256xf32>
    %get3A_61 = arith.constant 0 : index
    %get3A_62 = arith.constant 0 : index
    %get3A_63 = vector.load %arg9[%get3A_61, %get3A_62] : memref<9x64xf32, #tpu.memory_space<vmem>>, vector<9x64xf32>
    %get3A_64 = arith.constant 256 : index
    %get3A_65 = arith.constant 0 : index
    %get3A_66 = vector.load %arg10[%get3A_64, %get3A_65] : memref<320x256xf32, #tpu.memory_space<vmem>>, vector<64x256xf32>
    %dot_general3A_67 = arith.constant dense<0.000000e+00> : vector<9x256xf32>
    %dot_general3A_68 = tpu.matmul %get3A_63, %get3A_66, %dot_general3A_67 {dimension_numbers = #tpu.dot_dimension_numbers<[1], [0], [0], [1], [0, 0, 1, 1], [], []>, transpose_lhs_hint = false} : vector<9x64xf32>, vector<64x256xf32>, vector<9x256xf32> -> vector<9x256xf32>
    %iota3A = tpu.iota {dimensions = array<i32: 0>} : vector<4864x1xi32>
    %get3A_69 = arith.constant 0 : index
    %get3A_70 = vector.load %arg11[%get3A_69] : memref<256xf32, #tpu.memory_space<vmem>>, vector<256xf32>
    %broadcast_in_dim3A = vector.shape_cast %get3A_70 : vector<256xf32> to vector<1x256xf32>
    %broadcast_in_dim3A_71 = vector.shape_cast %broadcast_in_dim3A : vector<1x256xf32> to vector<1x256xf32>
    %broadcast_in_dim3A_72 = vector.broadcast %broadcast_in_dim3A_71 : vector<1x256xf32> to vector<4864x256xf32>
    %jit3A = arith.constant 972 : i32
    %div3A = vector.broadcast %jit3A : i32 to vector<4864x1xi32>
    %div3A_73 = arith.divsi %iota3A, %div3A : vector<4864x1xi32>
    %sign3A = arith.constant 0 : i32
    %sign3A_74 = vector.broadcast %sign3A : i32 to vector<4864x1xi32>
    %sign3A_75 = arith.cmpi sgt, %iota3A, %sign3A_74 : vector<4864x1xi32>
    %sign3A_76 = arith.extui %sign3A_75 : vector<4864x1xi1> to vector<4864x1xi32>
    %sign3A_77 = arith.constant 0 : i32
    %sign3A_78 = vector.broadcast %sign3A_77 : i32 to vector<4864x1xi32>
    %sign3A_79 = arith.cmpi slt, %iota3A, %sign3A_78 : vector<4864x1xi32>
    %sign3A_80 = arith.extui %sign3A_79 : vector<4864x1xi1> to vector<4864x1xi32>
    %sign3A_81 = arith.subi %sign3A_76, %sign3A_80 : vector<4864x1xi32>
    %sign3A_82 = arith.constant 0 : i32
    %sign3A_83 = arith.cmpi sgt, %jit3A, %sign3A_82 : i32
    %sign3A_84 = arith.extui %sign3A_83 : i1 to i32
    %sign3A_85 = arith.constant 0 : i32
    %sign3A_86 = arith.cmpi slt, %jit3A, %sign3A_85 : i32
    %sign3A_87 = arith.extui %sign3A_86 : i1 to i32
    %sign3A_88 = arith.subi %sign3A_84, %sign3A_87 : i32
    %ne3A = vector.broadcast %sign3A_88 : i32 to vector<4864x1xi32>
    %ne3A_89 = arith.cmpi ne, %sign3A_81, %ne3A : vector<4864x1xi32>
    %rem3A = vector.broadcast %jit3A : i32 to vector<4864x1xi32>
    %rem3A_90 = arith.remsi %iota3A, %rem3A : vector<4864x1xi32>
    %ne3A_91 = arith.constant 0 : i32
    %ne3A_92 = vector.broadcast %ne3A_91 : i32 to vector<4864x1xi32>
    %ne3A_93 = arith.cmpi ne, %rem3A_90, %ne3A_92 : vector<4864x1xi32>
    %and3A = arith.andi %ne3A_89, %ne3A_93 : vector<4864x1xi1>
    %sub3A = arith.constant 1 : i32
    %sub3A_94 = vector.broadcast %sub3A : i32 to vector<4864x1xi32>
    %sub3A_95 = arith.subi %div3A_73, %sub3A_94 : vector<4864x1xi32>
    %select_n3A = arith.select %and3A, %sub3A_95, %div3A_73 : vector<4864x1xi1>, vector<4864x1xi32>
    %jit3A_96 = arith.constant 5 : i32
    %eq3A = arith.constant 0 : i32
    %eq3A_97 = arith.cmpi eq, %jit3A_96, %eq3A : i32
    %jit3A_98 = arith.constant 1 : i32
    %select_n3A_99 = arith.select %eq3A_97, %jit3A_98, %jit3A_96 : i32
    %rem3A_100 = vector.broadcast %select_n3A_99 : i32 to vector<4864x1xi32>
    %rem3A_101 = arith.remsi %select_n3A, %rem3A_100 : vector<4864x1xi32>
    %ne3A_102 = arith.constant 0 : i32
    %ne3A_103 = vector.broadcast %ne3A_102 : i32 to vector<4864x1xi32>
    %ne3A_104 = arith.cmpi ne, %rem3A_101, %ne3A_103 : vector<4864x1xi32>
    %lt3A = arith.constant 0 : i32
    %lt3A_105 = vector.broadcast %lt3A : i32 to vector<4864x1xi32>
    %lt3A_106 = arith.cmpi slt, %rem3A_101, %lt3A_105 : vector<4864x1xi32>
    %lt3A_107 = arith.constant 0 : i32
    %lt3A_108 = arith.cmpi slt, %select_n3A_99, %lt3A_107 : i32
    %ne3A_109 = vector.broadcast %lt3A_108 : i1 to vector<4864x1xi1>
    %ne3A_110 = vector.broadcast %ne3A_109 : vector<4864x1xi1> to vector<4864x1xi1>
    %ne3A_111 = arith.xori %lt3A_106, %ne3A_110 : vector<4864x1xi1>
    %and3A_112 = arith.andi %ne3A_111, %ne3A_104 : vector<4864x1xi1>
    %add3A_113 = vector.broadcast %select_n3A_99 : i32 to vector<4864x1xi32>
    %add3A_114 = arith.addi %rem3A_101, %add3A_113 : vector<4864x1xi32>
    %select_n3A_115 = arith.select %and3A_112, %add3A_114, %rem3A_101 : vector<4864x1xi1>, vector<4864x1xi32>
    %iota3A_116 = tpu.iota {dimensions = array<i32: 1>} : vector<4864x5xi32>
    %eq3A_117 = vector.broadcast %select_n3A_115 : vector<4864x1xi32> to vector<4864x5xi32>
    %eq3A_118 = arith.cmpi eq, %iota3A_116, %eq3A_117 : vector<4864x5xi32>
    %convert_element_type3A = arith.extui %eq3A_118 : vector<4864x5xi1> to vector<4864x5xi32>
    %convert_element_type3A_119 = arith.sitofp %convert_element_type3A : vector<4864x5xi32> to vector<4864x5xf32>
    %dot_general3A_120 = arith.constant dense<0.000000e+00> : vector<4864x256xf32>
    %dot_general3A_121 = tpu.matmul %convert_element_type3A_119, %dot_general3A_36, %dot_general3A_120 {dimension_numbers = #tpu.dot_dimension_numbers<[1], [0], [0], [1], [0, 0, 1, 1], [], []>, transpose_lhs_hint = false} : vector<4864x5xf32>, vector<5x256xf32>, vector<4864x256xf32> -> vector<4864x256xf32>
    %add3A_122 = arith.addf %broadcast_in_dim3A_72, %dot_general3A_121 : vector<4864x256xf32>
    %jit3A_123 = arith.constant 324 : i32
    %div3A_124 = vector.broadcast %jit3A_123 : i32 to vector<4864x1xi32>
    %div3A_125 = arith.divsi %iota3A, %div3A_124 : vector<4864x1xi32>
    %sign3A_126 = arith.constant 0 : i32
    %sign3A_127 = vector.broadcast %sign3A_126 : i32 to vector<4864x1xi32>
    %sign3A_128 = arith.cmpi sgt, %iota3A, %sign3A_127 : vector<4864x1xi32>
    %sign3A_129 = arith.extui %sign3A_128 : vector<4864x1xi1> to vector<4864x1xi32>
    %sign3A_130 = arith.constant 0 : i32
    %sign3A_131 = vector.broadcast %sign3A_130 : i32 to vector<4864x1xi32>
    %sign3A_132 = arith.cmpi slt, %iota3A, %sign3A_131 : vector<4864x1xi32>
    %sign3A_133 = arith.extui %sign3A_132 : vector<4864x1xi1> to vector<4864x1xi32>
    %sign3A_134 = arith.subi %sign3A_129, %sign3A_133 : vector<4864x1xi32>
    %sign3A_135 = arith.constant 0 : i32
    %sign3A_136 = arith.cmpi sgt, %jit3A_123, %sign3A_135 : i32
    %sign3A_137 = arith.extui %sign3A_136 : i1 to i32
    %sign3A_138 = arith.constant 0 : i32
    %sign3A_139 = arith.cmpi slt, %jit3A_123, %sign3A_138 : i32
    %sign3A_140 = arith.extui %sign3A_139 : i1 to i32
    %sign3A_141 = arith.subi %sign3A_137, %sign3A_140 : i32
    %ne3A_142 = vector.broadcast %sign3A_141 : i32 to vector<4864x1xi32>
    %ne3A_143 = arith.cmpi ne, %sign3A_134, %ne3A_142 : vector<4864x1xi32>
    %rem3A_144 = vector.broadcast %jit3A_123 : i32 to vector<4864x1xi32>
    %rem3A_145 = arith.remsi %iota3A, %rem3A_144 : vector<4864x1xi32>
    %ne3A_146 = arith.constant 0 : i32
    %ne3A_147 = vector.broadcast %ne3A_146 : i32 to vector<4864x1xi32>
    %ne3A_148 = arith.cmpi ne, %rem3A_145, %ne3A_147 : vector<4864x1xi32>
    %and3A_149 = arith.andi %ne3A_143, %ne3A_148 : vector<4864x1xi1>
    %sub3A_150 = arith.constant 1 : i32
    %sub3A_151 = vector.broadcast %sub3A_150 : i32 to vector<4864x1xi32>
    %sub3A_152 = arith.subi %div3A_125, %sub3A_151 : vector<4864x1xi32>
    %select_n3A_153 = arith.select %and3A_149, %sub3A_152, %div3A_125 : vector<4864x1xi1>, vector<4864x1xi32>
    %jit3A_154 = arith.constant 3 : i32
    %eq3A_155 = arith.constant 0 : i32
    %eq3A_156 = arith.cmpi eq, %jit3A_154, %eq3A_155 : i32
    %jit3A_157 = arith.constant 1 : i32
    %select_n3A_158 = arith.select %eq3A_156, %jit3A_157, %jit3A_154 : i32
    %rem3A_159 = vector.broadcast %select_n3A_158 : i32 to vector<4864x1xi32>
    %rem3A_160 = arith.remsi %select_n3A_153, %rem3A_159 : vector<4864x1xi32>
    %ne3A_161 = arith.constant 0 : i32
    %ne3A_162 = vector.broadcast %ne3A_161 : i32 to vector<4864x1xi32>
    %ne3A_163 = arith.cmpi ne, %rem3A_160, %ne3A_162 : vector<4864x1xi32>
    %lt3A_164 = arith.constant 0 : i32
    %lt3A_165 = vector.broadcast %lt3A_164 : i32 to vector<4864x1xi32>
    %lt3A_166 = arith.cmpi slt, %rem3A_160, %lt3A_165 : vector<4864x1xi32>
    %lt3A_167 = arith.constant 0 : i32
    %lt3A_168 = arith.cmpi slt, %select_n3A_158, %lt3A_167 : i32
    %ne3A_169 = vector.broadcast %lt3A_168 : i1 to vector<4864x1xi1>
    %ne3A_170 = vector.broadcast %ne3A_169 : vector<4864x1xi1> to vector<4864x1xi1>
    %ne3A_171 = arith.xori %lt3A_166, %ne3A_170 : vector<4864x1xi1>
    %and3A_172 = arith.andi %ne3A_171, %ne3A_163 : vector<4864x1xi1>
    %add3A_173 = vector.broadcast %select_n3A_158 : i32 to vector<4864x1xi32>
    %add3A_174 = arith.addi %rem3A_160, %add3A_173 : vector<4864x1xi32>
    %select_n3A_175 = arith.select %and3A_172, %add3A_174, %rem3A_160 : vector<4864x1xi1>, vector<4864x1xi32>
    %iota3A_176 = tpu.iota {dimensions = array<i32: 1>} : vector<4864x3xi32>
    %eq3A_177 = vector.broadcast %select_n3A_175 : vector<4864x1xi32> to vector<4864x3xi32>
    %eq3A_178 = arith.cmpi eq, %iota3A_176, %eq3A_177 : vector<4864x3xi32>
    %convert_element_type3A_179 = arith.extui %eq3A_178 : vector<4864x3xi1> to vector<4864x3xi32>
    %convert_element_type3A_180 = arith.sitofp %convert_element_type3A_179 : vector<4864x3xi32> to vector<4864x3xf32>
    %dot_general3A_181 = arith.constant dense<0.000000e+00> : vector<4864x256xf32>
    %dot_general3A_182 = tpu.matmul %convert_element_type3A_180, %dot_general3A_44, %dot_general3A_181 {dimension_numbers = #tpu.dot_dimension_numbers<[1], [0], [0], [1], [0, 0, 1, 1], [], []>, transpose_lhs_hint = false} : vector<4864x3xf32>, vector<3x256xf32>, vector<4864x256xf32> -> vector<4864x256xf32>
    %add3A_183 = arith.addf %add3A_122, %dot_general3A_182 : vector<4864x256xf32>
    %jit3A_184 = arith.constant 81 : i32
    %div3A_185 = vector.broadcast %jit3A_184 : i32 to vector<4864x1xi32>
    %div3A_186 = arith.divsi %iota3A, %div3A_185 : vector<4864x1xi32>
    %sign3A_187 = arith.constant 0 : i32
    %sign3A_188 = vector.broadcast %sign3A_187 : i32 to vector<4864x1xi32>
    %sign3A_189 = arith.cmpi sgt, %iota3A, %sign3A_188 : vector<4864x1xi32>
    %sign3A_190 = arith.extui %sign3A_189 : vector<4864x1xi1> to vector<4864x1xi32>
    %sign3A_191 = arith.constant 0 : i32
    %sign3A_192 = vector.broadcast %sign3A_191 : i32 to vector<4864x1xi32>
    %sign3A_193 = arith.cmpi slt, %iota3A, %sign3A_192 : vector<4864x1xi32>
    %sign3A_194 = arith.extui %sign3A_193 : vector<4864x1xi1> to vector<4864x1xi32>
    %sign3A_195 = arith.subi %sign3A_190, %sign3A_194 : vector<4864x1xi32>
    %sign3A_196 = arith.constant 0 : i32
    %sign3A_197 = arith.cmpi sgt, %jit3A_184, %sign3A_196 : i32
    %sign3A_198 = arith.extui %sign3A_197 : i1 to i32
    %sign3A_199 = arith.constant 0 : i32
    %sign3A_200 = arith.cmpi slt, %jit3A_184, %sign3A_199 : i32
    %sign3A_201 = arith.extui %sign3A_200 : i1 to i32
    %sign3A_202 = arith.subi %sign3A_198, %sign3A_201 : i32
    %ne3A_203 = vector.broadcast %sign3A_202 : i32 to vector<4864x1xi32>
    %ne3A_204 = arith.cmpi ne, %sign3A_195, %ne3A_203 : vector<4864x1xi32>
    %rem3A_205 = vector.broadcast %jit3A_184 : i32 to vector<4864x1xi32>
    %rem3A_206 = arith.remsi %iota3A, %rem3A_205 : vector<4864x1xi32>
    %ne3A_207 = arith.constant 0 : i32
    %ne3A_208 = vector.broadcast %ne3A_207 : i32 to vector<4864x1xi32>
    %ne3A_209 = arith.cmpi ne, %rem3A_206, %ne3A_208 : vector<4864x1xi32>
    %and3A_210 = arith.andi %ne3A_204, %ne3A_209 : vector<4864x1xi1>
    %sub3A_211 = arith.constant 1 : i32
    %sub3A_212 = vector.broadcast %sub3A_211 : i32 to vector<4864x1xi32>
    %sub3A_213 = arith.subi %div3A_186, %sub3A_212 : vector<4864x1xi32>
    %select_n3A_214 = arith.select %and3A_210, %sub3A_213, %div3A_186 : vector<4864x1xi1>, vector<4864x1xi32>
    %jit3A_215 = arith.constant 4 : i32
    %eq3A_216 = arith.constant 0 : i32
    %eq3A_217 = arith.cmpi eq, %jit3A_215, %eq3A_216 : i32
    %jit3A_218 = arith.constant 1 : i32
    %select_n3A_219 = arith.select %eq3A_217, %jit3A_218, %jit3A_215 : i32
    %rem3A_220 = vector.broadcast %select_n3A_219 : i32 to vector<4864x1xi32>
    %rem3A_221 = arith.remsi %select_n3A_214, %rem3A_220 : vector<4864x1xi32>
    %ne3A_222 = arith.constant 0 : i32
    %ne3A_223 = vector.broadcast %ne3A_222 : i32 to vector<4864x1xi32>
    %ne3A_224 = arith.cmpi ne, %rem3A_221, %ne3A_223 : vector<4864x1xi32>
    %lt3A_225 = arith.constant 0 : i32
    %lt3A_226 = vector.broadcast %lt3A_225 : i32 to vector<4864x1xi32>
    %lt3A_227 = arith.cmpi slt, %rem3A_221, %lt3A_226 : vector<4864x1xi32>
    %lt3A_228 = arith.constant 0 : i32
    %lt3A_229 = arith.cmpi slt, %select_n3A_219, %lt3A_228 : i32
    %ne3A_230 = vector.broadcast %lt3A_229 : i1 to vector<4864x1xi1>
    %ne3A_231 = vector.broadcast %ne3A_230 : vector<4864x1xi1> to vector<4864x1xi1>
    %ne3A_232 = arith.xori %lt3A_227, %ne3A_231 : vector<4864x1xi1>
    %and3A_233 = arith.andi %ne3A_232, %ne3A_224 : vector<4864x1xi1>
    %add3A_234 = vector.broadcast %select_n3A_219 : i32 to vector<4864x1xi32>
    %add3A_235 = arith.addi %rem3A_221, %add3A_234 : vector<4864x1xi32>
    %select_n3A_236 = arith.select %and3A_233, %add3A_235, %rem3A_221 : vector<4864x1xi1>, vector<4864x1xi32>
    %iota3A_237 = tpu.iota {dimensions = array<i32: 1>} : vector<4864x4xi32>
    %eq3A_238 = vector.broadcast %select_n3A_236 : vector<4864x1xi32> to vector<4864x4xi32>
    %eq3A_239 = arith.cmpi eq, %iota3A_237, %eq3A_238 : vector<4864x4xi32>
    %convert_element_type3A_240 = arith.extui %eq3A_239 : vector<4864x4xi1> to vector<4864x4xi32>
    %convert_element_type3A_241 = arith.sitofp %convert_element_type3A_240 : vector<4864x4xi32> to vector<4864x4xf32>
    %dot_general3A_242 = arith.constant dense<0.000000e+00> : vector<4864x256xf32>
    %dot_general3A_243 = tpu.matmul %convert_element_type3A_241, %dot_general3A_52, %dot_general3A_242 {dimension_numbers = #tpu.dot_dimension_numbers<[1], [0], [0], [1], [0, 0, 1, 1], [], []>, transpose_lhs_hint = false} : vector<4864x4xf32>, vector<4x256xf32>, vector<4864x256xf32> -> vector<4864x256xf32>
    %add3A_244 = arith.addf %add3A_183, %dot_general3A_243 : vector<4864x256xf32>
    %jit3A_245 = arith.constant 9 : i32
    %div3A_246 = vector.broadcast %jit3A_245 : i32 to vector<4864x1xi32>
    %div3A_247 = arith.divsi %iota3A, %div3A_246 : vector<4864x1xi32>
    %sign3A_248 = arith.constant 0 : i32
    %sign3A_249 = vector.broadcast %sign3A_248 : i32 to vector<4864x1xi32>
    %sign3A_250 = arith.cmpi sgt, %iota3A, %sign3A_249 : vector<4864x1xi32>
    %sign3A_251 = arith.extui %sign3A_250 : vector<4864x1xi1> to vector<4864x1xi32>
    %sign3A_252 = arith.constant 0 : i32
    %sign3A_253 = vector.broadcast %sign3A_252 : i32 to vector<4864x1xi32>
    %sign3A_254 = arith.cmpi slt, %iota3A, %sign3A_253 : vector<4864x1xi32>
    %sign3A_255 = arith.extui %sign3A_254 : vector<4864x1xi1> to vector<4864x1xi32>
    %sign3A_256 = arith.subi %sign3A_251, %sign3A_255 : vector<4864x1xi32>
    %sign3A_257 = arith.constant 0 : i32
    %sign3A_258 = arith.cmpi sgt, %jit3A_245, %sign3A_257 : i32
    %sign3A_259 = arith.extui %sign3A_258 : i1 to i32
    %sign3A_260 = arith.constant 0 : i32
    %sign3A_261 = arith.cmpi slt, %jit3A_245, %sign3A_260 : i32
    %sign3A_262 = arith.extui %sign3A_261 : i1 to i32
    %sign3A_263 = arith.subi %sign3A_259, %sign3A_262 : i32
    %ne3A_264 = vector.broadcast %sign3A_263 : i32 to vector<4864x1xi32>
    %ne3A_265 = arith.cmpi ne, %sign3A_256, %ne3A_264 : vector<4864x1xi32>
    %rem3A_266 = vector.broadcast %jit3A_245 : i32 to vector<4864x1xi32>
    %rem3A_267 = arith.remsi %iota3A, %rem3A_266 : vector<4864x1xi32>
    %ne3A_268 = arith.constant 0 : i32
    %ne3A_269 = vector.broadcast %ne3A_268 : i32 to vector<4864x1xi32>
    %ne3A_270 = arith.cmpi ne, %rem3A_267, %ne3A_269 : vector<4864x1xi32>
    %and3A_271 = arith.andi %ne3A_265, %ne3A_270 : vector<4864x1xi1>
    %sub3A_272 = arith.constant 1 : i32
    %sub3A_273 = vector.broadcast %sub3A_272 : i32 to vector<4864x1xi32>
    %sub3A_274 = arith.subi %div3A_247, %sub3A_273 : vector<4864x1xi32>
    %select_n3A_275 = arith.select %and3A_271, %sub3A_274, %div3A_247 : vector<4864x1xi1>, vector<4864x1xi32>
    %jit3A_276 = arith.constant 9 : i32
    %eq3A_277 = arith.constant 0 : i32
    %eq3A_278 = arith.cmpi eq, %jit3A_276, %eq3A_277 : i32
    %jit3A_279 = arith.constant 1 : i32
    %select_n3A_280 = arith.select %eq3A_278, %jit3A_279, %jit3A_276 : i32
    %rem3A_281 = vector.broadcast %select_n3A_280 : i32 to vector<4864x1xi32>
    %rem3A_282 = arith.remsi %select_n3A_275, %rem3A_281 : vector<4864x1xi32>
    %ne3A_283 = arith.constant 0 : i32
    %ne3A_284 = vector.broadcast %ne3A_283 : i32 to vector<4864x1xi32>
    %ne3A_285 = arith.cmpi ne, %rem3A_282, %ne3A_284 : vector<4864x1xi32>
    %lt3A_286 = arith.constant 0 : i32
    %lt3A_287 = vector.broadcast %lt3A_286 : i32 to vector<4864x1xi32>
    %lt3A_288 = arith.cmpi slt, %rem3A_282, %lt3A_287 : vector<4864x1xi32>
    %lt3A_289 = arith.constant 0 : i32
    %lt3A_290 = arith.cmpi slt, %select_n3A_280, %lt3A_289 : i32
    %ne3A_291 = vector.broadcast %lt3A_290 : i1 to vector<4864x1xi1>
    %ne3A_292 = vector.broadcast %ne3A_291 : vector<4864x1xi1> to vector<4864x1xi1>
    %ne3A_293 = arith.xori %lt3A_288, %ne3A_292 : vector<4864x1xi1>
    %and3A_294 = arith.andi %ne3A_293, %ne3A_285 : vector<4864x1xi1>
    %add3A_295 = vector.broadcast %select_n3A_280 : i32 to vector<4864x1xi32>
    %add3A_296 = arith.addi %rem3A_282, %add3A_295 : vector<4864x1xi32>
    %select_n3A_297 = arith.select %and3A_294, %add3A_296, %rem3A_282 : vector<4864x1xi1>, vector<4864x1xi32>
    %iota3A_298 = tpu.iota {dimensions = array<i32: 1>} : vector<4864x9xi32>
    %eq3A_299 = vector.broadcast %select_n3A_297 : vector<4864x1xi32> to vector<4864x9xi32>
    %eq3A_300 = arith.cmpi eq, %iota3A_298, %eq3A_299 : vector<4864x9xi32>
    %convert_element_type3A_301 = arith.extui %eq3A_300 : vector<4864x9xi1> to vector<4864x9xi32>
    %convert_element_type3A_302 = arith.sitofp %convert_element_type3A_301 : vector<4864x9xi32> to vector<4864x9xf32>
    %dot_general3A_303 = arith.constant dense<0.000000e+00> : vector<4864x256xf32>
    %dot_general3A_304 = tpu.matmul %convert_element_type3A_302, %dot_general3A_60, %dot_general3A_303 {dimension_numbers = #tpu.dot_dimension_numbers<[1], [0], [0], [1], [0, 0, 1, 1], [], []>, transpose_lhs_hint = false} : vector<4864x9xf32>, vector<9x256xf32>, vector<4864x256xf32> -> vector<4864x256xf32>
    %add3A_305 = arith.addf %add3A_244, %dot_general3A_304 : vector<4864x256xf32>
    %jit3A_306 = arith.constant 1 : i32
    %div3A_307 = vector.broadcast %jit3A_306 : i32 to vector<4864x1xi32>
    %div3A_308 = arith.divsi %iota3A, %div3A_307 : vector<4864x1xi32>
    %sign3A_309 = arith.constant 0 : i32
    %sign3A_310 = vector.broadcast %sign3A_309 : i32 to vector<4864x1xi32>
    %sign3A_311 = arith.cmpi sgt, %iota3A, %sign3A_310 : vector<4864x1xi32>
    %sign3A_312 = arith.extui %sign3A_311 : vector<4864x1xi1> to vector<4864x1xi32>
    %sign3A_313 = arith.constant 0 : i32
    %sign3A_314 = vector.broadcast %sign3A_313 : i32 to vector<4864x1xi32>
    %sign3A_315 = arith.cmpi slt, %iota3A, %sign3A_314 : vector<4864x1xi32>
    %sign3A_316 = arith.extui %sign3A_315 : vector<4864x1xi1> to vector<4864x1xi32>
    %sign3A_317 = arith.subi %sign3A_312, %sign3A_316 : vector<4864x1xi32>
    %sign3A_318 = arith.constant 0 : i32
    %sign3A_319 = arith.cmpi sgt, %jit3A_306, %sign3A_318 : i32
    %sign3A_320 = arith.extui %sign3A_319 : i1 to i32
    %sign3A_321 = arith.constant 0 : i32
    %sign3A_322 = arith.cmpi slt, %jit3A_306, %sign3A_321 : i32
    %sign3A_323 = arith.extui %sign3A_322 : i1 to i32
    %sign3A_324 = arith.subi %sign3A_320, %sign3A_323 : i32
    %ne3A_325 = vector.broadcast %sign3A_324 : i32 to vector<4864x1xi32>
    %ne3A_326 = arith.cmpi ne, %sign3A_317, %ne3A_325 : vector<4864x1xi32>
    %rem3A_327 = vector.broadcast %jit3A_306 : i32 to vector<4864x1xi32>
    %rem3A_328 = arith.remsi %iota3A, %rem3A_327 : vector<4864x1xi32>
    %ne3A_329 = arith.constant 0 : i32
    %ne3A_330 = vector.broadcast %ne3A_329 : i32 to vector<4864x1xi32>
    %ne3A_331 = arith.cmpi ne, %rem3A_328, %ne3A_330 : vector<4864x1xi32>
    %and3A_332 = arith.andi %ne3A_326, %ne3A_331 : vector<4864x1xi1>
    %sub3A_333 = arith.constant 1 : i32
    %sub3A_334 = vector.broadcast %sub3A_333 : i32 to vector<4864x1xi32>
    %sub3A_335 = arith.subi %div3A_308, %sub3A_334 : vector<4864x1xi32>
    %select_n3A_336 = arith.select %and3A_332, %sub3A_335, %div3A_308 : vector<4864x1xi1>, vector<4864x1xi32>
    %jit3A_337 = arith.constant 9 : i32
    %eq3A_338 = arith.constant 0 : i32
    %eq3A_339 = arith.cmpi eq, %jit3A_337, %eq3A_338 : i32
    %jit3A_340 = arith.constant 1 : i32
    %select_n3A_341 = arith.select %eq3A_339, %jit3A_340, %jit3A_337 : i32
    %rem3A_342 = vector.broadcast %select_n3A_341 : i32 to vector<4864x1xi32>
    %rem3A_343 = arith.remsi %select_n3A_336, %rem3A_342 : vector<4864x1xi32>
    %ne3A_344 = arith.constant 0 : i32
    %ne3A_345 = vector.broadcast %ne3A_344 : i32 to vector<4864x1xi32>
    %ne3A_346 = arith.cmpi ne, %rem3A_343, %ne3A_345 : vector<4864x1xi32>
    %lt3A_347 = arith.constant 0 : i32
    %lt3A_348 = vector.broadcast %lt3A_347 : i32 to vector<4864x1xi32>
    %lt3A_349 = arith.cmpi slt, %rem3A_343, %lt3A_348 : vector<4864x1xi32>
    %lt3A_350 = arith.constant 0 : i32
    %lt3A_351 = arith.cmpi slt, %select_n3A_341, %lt3A_350 : i32
    %ne3A_352 = vector.broadcast %lt3A_351 : i1 to vector<4864x1xi1>
    %ne3A_353 = vector.broadcast %ne3A_352 : vector<4864x1xi1> to vector<4864x1xi1>
    %ne3A_354 = arith.xori %lt3A_349, %ne3A_353 : vector<4864x1xi1>
    %and3A_355 = arith.andi %ne3A_354, %ne3A_346 : vector<4864x1xi1>
    %add3A_356 = vector.broadcast %select_n3A_341 : i32 to vector<4864x1xi32>
    %add3A_357 = arith.addi %rem3A_343, %add3A_356 : vector<4864x1xi32>
    %select_n3A_358 = arith.select %and3A_355, %add3A_357, %rem3A_343 : vector<4864x1xi1>, vector<4864x1xi32>
    %iota3A_359 = tpu.iota {dimensions = array<i32: 1>} : vector<4864x9xi32>
    %eq3A_360 = vector.broadcast %select_n3A_358 : vector<4864x1xi32> to vector<4864x9xi32>
    %eq3A_361 = arith.cmpi eq, %iota3A_359, %eq3A_360 : vector<4864x9xi32>
    %convert_element_type3A_362 = arith.extui %eq3A_361 : vector<4864x9xi1> to vector<4864x9xi32>
    %convert_element_type3A_363 = arith.sitofp %convert_element_type3A_362 : vector<4864x9xi32> to vector<4864x9xf32>
    %dot_general3A_364 = arith.constant dense<0.000000e+00> : vector<4864x256xf32>
    %dot_general3A_365 = tpu.matmul %convert_element_type3A_363, %dot_general3A_68, %dot_general3A_364 {dimension_numbers = #tpu.dot_dimension_numbers<[1], [0], [0], [1], [0, 0, 1, 1], [], []>, transpose_lhs_hint = false} : vector<4864x9xf32>, vector<9x256xf32>, vector<4864x256xf32> -> vector<4864x256xf32>
    %add3A_366 = arith.addf %add3A_305, %dot_general3A_365 : vector<4864x256xf32>
    %swap3A_367 = arith.constant 0 : index
    %swap3A_368 = arith.constant 0 : index
    %swap3A_369 = vector.load %arg13[%swap3A_367, %swap3A_368] : memref<4864x256xf32, #tpu.memory_space<vmem>>, vector<4864x256xf32>
    tpu.vector_store %arg13[%swap3A_367, %swap3A_368], %add3A_366 {strides = array<i32>} : memref<4864x256xf32, #tpu.memory_space<vmem>>, vector<4864x256xf32>,
    return
  }
}

</mosaic_0001>

<sc_bundles>
// kernel: kernel.4.cloned.1.call-start
scs
__scs_entry_jumppad:
0x0: {  	(pc) =	sbr.rel $0x88, $3  }
0x1: {  	(tag) =	ssettag $0x0;
	lr =	simm.s32 $0x1  }
0x2: {  	[smem:$0x3F95] =	sst lr;
	_ =	strace $0xD0000000  }
0x3: {  	_ = 	snop  }
0x4: {  	_ = 	snop  }
0x5: {  	_ = 	snop  }
0x6: {  	_ = 	snop  }
0x7: {  	_ = 	snop  }
__scs_overlays_trampoline_lowered:
0x8: {  	[smem:$0x3FA4] =	sst s0  }
0x9: {  	[smem:$0x3FA5] =	sst s1  }
0xa: {  	[smem:$0x3FA6] =	sst s2  }
0xb: {  	[smem:$0x3FA7] =	sst s3  }
0xc: {  	[smem:$0x3FA8] =	sst s4  }
0xd: {  	[smem:$0x3FA9] =	sst s5  }
0xe: {  	[smem:$0x3FAA] =	sst s6  }
0xf: {  	[smem:$0x3FAB] =	sst s7  }
0x10: {  	[smem:$0x3FAC] =	sst s8  }
0x11: {  	[smem:$0x3FAD] =	sst s9;
	s0 =	simm.s32 @!p0 $0x0  }
0x12: {  	s1 =	sld [smem:$0x3F93];
	s0 =	simm.s32 @p0 $0x1  }
0x13: {  	[smem:$0x3FAE] =	sst s0;
	s0 =	simm.s32 @!p1 $0x0  }
0x14: {  	s2 =	sld [smem:$0x3F92];
	s0 =	simm.s32 @p1 $0x1  }
0x15: {  	[smem:$0x3FAF] =	sst s0;
	s0 =	simm.s32 @!p2 $0x0  }
0x16: {  	s3 =	sld [smem:$0x3FDB];
	s0 =	simm.s32 @p2 $0x1  }
0x17: {  	s4 =	simm.s32 $0x1BF5;
	[smem:$0x3FB1] =	sst s0  }
0x18: {  	s0 =	sld [smem:$0x3F94];
	_ =	swait.ge [sflag:s4], $0x0  }
0x19: {  	s7 =	sld [smem:$0x3F95]  }
0x1a: {  	s8 =	sadd.s32 $0xFFFFE003, lr  }
0x1b: {  	s9 =	sadd.s32 $0xFFFFFEF7, lr;
	s5 =	simm.s32 $0xFFFFFFFF;
	p2 =	slt.u32 s8, $0xFFFFF086  }
0x1c: {  	p1 =	slt.u32 s9, $0xF7A;
	s5 =	simm.s32 @!p2 $0x0  }
0x1d: {  	s5 =	simm.s32 @p1 $0x1;
	p0 =	seq.s32 s7, s2  }
0x1e: {  	s7 =	smul.u32 @!p0 $0xF7A, s2;
	p2 =	seq.s32 @!p0 s5, $0x0  }
0x1f: {  	s9 =	smul.u32 $0xF7A, s1;
	s8 =	simm.s32 @!p0 $0x1BF5;
	p2 =	por !p2, p0  }
0x20: {  	[sflag:s8] =	ssyncset.s32 @!p0 $0xFFFFF086;
	s6 =	sadd.s32 @!p0 s3, s7;
	s7 =	simm.s32 @!p0 $0x108  }
0x21: {  	s3 =	sadd.s32 s3, s9;
	s6 =	sadd.s32 @!p0 $0x88, s6;
	s7 =	simm.s32 @p2 $0x1082  }
0x22: {  	[simem:s7], [sflag:s8] =	dma.local @!p0 [hbm:s6], $0xF7A  }
0x23: {  	s9 =	sor.u32 $0xD0000000, s2;
	s6 =	simm.s32 $0x108;
	_ =	swait.ge @!p0 [sflag:s8], $0x0  }
0x24: {  	s3 =	sadd.s32 $0x88, s3;
	s6 =	simm.s32 @!p1 $0x1082;
	[sflag:s4] =	ssyncset.s32 $0xFFFFF086  }
0x25: {  	[simem:s6], [sflag:s4] =	dma.local [hbm:s3], $0xF7A  }
0x26: {  	[smem:$0x3F95] =	sst s1;
	(tag) =	ssettag s2;
	_ =	strace s9  }
0x27: {  	s1 =	sld [smem:$0x3FA5]  }
0x28: {  	s2 =	sld [smem:$0x3FA6]  }
0x29: {  	s4 =	sld [smem:$0x3FA8]  }
0x2a: {  	p0 =	seq.s32 s5, $0x0;
	s5 =	sld [smem:$0x3FA9]  }
0x2b: {  	s6 =	sld [smem:$0x3FAA]  }
0x2c: {  	s7 =	sld [smem:$0x3FAB]  }
0x2d: {  	s3 =	simm.s32 $0x108;
	s8 =	sld [smem:$0x3FAC]  }
0x2e: {  	s3 =	simm.s32 @!p0 $0x1082;
	s9 =	sld [smem:$0x3FAD]  }
0x2f: {  	lr =	sadd.s32 s0, s3;
	s0 =	sld [smem:$0x3FA4]  }
0x30: {  	s3 =	sld [smem:$0x3FA7]  }
0x31: {  	[smem:$0x3FB0] =	sst s10  }
0x32: {  	s10 =	sld [smem:$0x3FAE];
	_ =	sdelay $0x3  }
0x33: {  	p0 =	seq.s32 s10, $0x1;
	s10 =	sld [smem:$0x3FB0];
	_ =	sdelay $0x3  }
0x34: {  	[smem:$0x3FB0] =	sst s10  }
0x35: {  	s10 =	sld [smem:$0x3FAF];
	_ =	sdelay $0x3  }
0x36: {  	p1 =	seq.s32 s10, $0x1;
	s10 =	sld [smem:$0x3FB0];
	_ =	sdelay $0x3  }
0x37: {  	[smem:$0x3FB0] =	sst s10  }
0x38: {  	s10 =	sld [smem:$0x3FB1]  }
0x39: {  	_ = 	snop;
	(pc) =	sbr.ind lr, $3  }
0x3a: {  	_ = 	snop  }
0x3b: {  	_ = 	snop  }
0x3c: {  	p2 =	seq.s32 s10, $0x1;
	s10 =	sld [smem:$0x3FB0]  }
0x3d: {  	_ =	shalt  }
0x3e: {  	_ =	shalt  }
0x3f: {  	_ =	shalt  }
0x40: {  	_ =	shalt  }
0x41: {  	_ =	shalt  }
0x42: {  	_ =	shalt  }
0x43: {  	_ =	shalt  }
0x44: {  	_ =	shalt  }
0x45: {  	_ =	shalt  }
0x46: {  	_ =	shalt  }
0x47: {  	_ =	shalt  }
0x48: {  	_ =	shalt  }
0x49: {  	_ =	shalt  }
0x4a: {  	_ =	shalt  }
0x4b: {  	_ =	shalt  }
0x4c: {  	_ =	shalt  }
0x4d: {  	_ =	shalt  }
0x4e: {  	_ =	shalt  }
0x4f: {  	_ =	shalt  }
0x50: {  	_ =	shalt  }
0x51: {  	_ =	shalt  }
0x52: {  	_ =	shalt  }
0x53: {  	_ =	shalt  }
0x54: {  	_ =	shalt  }
0x55: {  	_ =	shalt  }
0x56: {  	_ =	shalt  }
0x57: {  	_ =	shalt  }
0x58: {  	_ =	shalt  }
0x59: {  	_ =	shalt  }
0x5a: {  	_ =	shalt  }
0x5b: {  	_ =	shalt  }
0x5c: {  	_ =	shalt  }
0x5d: {  	_ =	shalt  }
0x5e: {  	_ =	shalt  }
0x5f: {  	_ =	shalt  }
0x60: {  	_ =	shalt  }
0x61: {  	_ =	shalt  }
0x62: {  	_ =	shalt  }
0x63: {  	_ =	shalt  }
0x64: {  	_ =	shalt  }
0x65: {  	_ =	shalt  }
0x66: {  	_ =	shalt  }
0x67: {  	_ =	shalt  }
0x68: {  	_ =	shalt  }
0x69: {  	_ =	shalt  }
0x6a: {  	_ =	shalt  }
0x6b: {  	_ =	shalt  }
0x6c: {  	_ =	shalt  }
0x6d: {  	_ =	shalt  }
0x6e: {  	_ =	shalt  }
0x6f: {  	_ =	shalt  }
0x70: {  	_ =	shalt  }
0x71: {  	_ =	shalt  }
0x72: {  	_ =	shalt  }
0x73: {  	_ =	shalt  }
0x74: {  	_ =	shalt  }
0x75: {  	_ =	shalt  }
0x76: {  	_ =	shalt  }
0x77: {  	_ =	shalt  }
0x78: {  	_ =	shalt  }
0x79: {  	_ =	shalt  }
0x7a: {  	_ =	shalt  }
0x7b: {  	_ =	shalt  }
0x7c: {  	_ =	shalt  }
0x7d: {  	_ =	shalt  }
0x7e: {  	_ =	shalt  }
0x7f: {  	_ =	shalt  }
0x80: {  	_ =	shalt  }
0x81: {  	_ =	shalt  }
0x82: {  	_ =	shalt  }
0x83: {  	_ =	shalt  }
0x84: {  	_ =	shalt  }
0x85: {  	_ =	shalt  }
0x86: {  	_ =	shalt  }
0x87: {  	_ =	shalt  }
.Lfunc_end0:
.L_simem_size_0:
called_computation_lowered:
.L_overlay_start_0:
0x88: {  	s2 =	sld [smem:$0x3FD9]  }
0x89: {  	s3 =	sld [smem:$0x3FFE];
	_ =	sdelay $0x1  }
0x8a: {  	s1 =	srdreg.scid  }
0x8b: {  	s0 =	sand.u32 $0x1, s1  }
0x8c: {  	s17 =	sshll.u32 s0, $0xA;
	s2 =	sadd.s32 s3, s2  }
0x8d: {  	s2 =	sadd.s32 s2, s17  }
0x8e: {  	[smem:$0x3FBC] =	sst s2  }
0x8f: {  	_ = 	snop  }
0x90: {  	s2 =	sld [smem:$0x3FD0];
	(tm) =	ssettm $0x1  }
0x91: {  	s18 =	sld [smem:$0x3FFB];
	_ =	sdelay $0x3  }
0x92: {  	_ =	strace s18  }
0x93: {  	s3 =	sld [smem:$0x3FFC];
	_ =	sdelay $0x3  }
0x94: {  	_ =	strace s3  }
0x95: {  	s3 =	sld [smem:$0x3FFD];
	_ =	sdelay $0x3  }
0x96: {  	_ =	strace s3  }
0x97: {  	_ =	strace $0x8FFFFFFF  }
0x98: {  	s19 =	sld [smem:$0x3FDB];
	_ =	sdelay $0x1  }
0x99: {  	s4 =	simm.s32 $_scs_section_size  }
0x9a: {  	s5 =	simm.s32 $_size__tile_overlayer_lowered;
	s6 =	simm.s32 $_tile_overlayer_lowered  }
0x9b: {  	s22 =	simm.s32 $0x1BFF;
	s21 =	sshll.u32 s6, $0x1;
	s3 =	sadd.s32 s4, s19  }
0x9c: {  	s7 =	simm.s32 $0x0;
	s20 =	sshll.u32 s5, $0x1;
	s5 =	sadd.s32 s21, s3  }
0x9d: {  	[timem:s7], [sflag:s22] =	dma.local [hbm:s5], s20  }
0x9e: {  	_ =	swait.ge [sflag:s22], s20  }
0x9f: {  	s4 =	ssub.s32 $0x0, s20;
	[sflag:s22] =	ssyncset.done $0x0  }
0xa0: {  	[sflag:s22] =	ssyncadd.s32 s4;
	_ =	sdelay $0x1  }
0xa1: {  	s23 =	simm.s32 $0x1B8B  }
0xa2: {  	_ =	swait.ge [sflag:s23], $0x1  }
0xa3: {  	[sflag:s23] =	ssyncset.done $0x0  }
0xa4: {  	s25 =	simm.s32 $0x1B8E;
	s24 =	sld [smem:$0x3FFE];
	[sflag:s23] =	ssyncadd.s32 $0xFFFFFFFF  }
0xa5: {  	s26 =	simm.s32 $execute0_lowered;
	[smem:$0x3FD2] =	sst s25  }
0xa6: {  	s5 =	sshll.u32 s26, $0x1;
	_ =	strace $0x80000046;
	[dreg:$0x1] =	wrdreg $0xFFFFFFFF  }
0xa7: {  	s28 =	simm.s32 $_size_execute0_lowered;
	s3 =	sadd.s32 s3, s5;
	[dreg:$0x0] =	wrdreg $0x0  }
0xa8: {  	s5 =	sshll.u32 s28, $0x1;
	[dreg:$0x2] =	wrdreg s3  }
0xa9: {  	[dreg:$0x3] =	wrdreg s5  }
0xaa: {  	[dreg:$0x4] =	wrdreg $0xC0  }
0xab: {  	_ =	task [dreg:s7], $0x5FFFF  }
0xac: {  	[dreg:$0x1] =	wrdreg $0xFFFFFFFF  }
0xad: {  	[dreg:$0x0] =	wrdreg $0x60  }
0xae: {  	[dreg:$0x2] =	wrdreg s24  }
0xaf: {  	[dreg:$0x3] =	wrdreg s2  }
0xb0: {  	[dreg:$0x4] =	wrdreg $0x9  }
0xb1: {  	_ =	task.clear_ibuf [dreg:s7], $0x5FFFF;
	_ =	strace $0x90000046  }
0xb2: {  	s29 =	simm.s32 $0x9;
	_ =	strace $0x80000048  }
0xb3: {  	_ =	swait.ge [sflag:s29], $0x1  }
0xb4: {  	[sflag:s29] =	ssyncadd.s32 $0xFFFFFFFF  }
0xb5: {  	_ =	strace $0x90000048  }
0xb6: {  	_ =	sfence  }
0xb7: {  	s30 =	sld [smem:$0x0];
	_ =	sdelay $0x2  }
0xb8: {  	s31 =	sshll.u32 s1, $0xD;
	s1 =	sshrl.u32 s1, $0x2  }
0xb9: {  	s3 =	sand.u32 $0x4000, s31;
	s1 =	sadd.s32 s1, s30  }
0xba: {  	s0 =	sor.u32 s3, s0;
	s1 =	sshll.u32 s1, $0x11  }
0xbb: {  	s0 =	sor.u32 s1, s0  }
0xbc: {  	s0 =	sadd.s32 $0x8F2B, s0  }
0xbd: {  	[sflag:s0] =	ssyncadd.remote.s32 $0x1  }
0xbe: {  	_ =	sfence.sel $0xFFFF  }
0xbf: {  	[dreg:$0x0] =	wrdreg $0xFFFFFFFF;
	(pc) =	sbr.abs _section_cstart, $3  }
0xc0: {  	[dreg:$0x1] =	wrdreg $0xFFFFFFFF  }
0xc1: {  	_ =	task.clear_ibuf [dreg:s7], $0x2FFFF;
	_ =	strace $0x9FFFFFFF  }
0xc2: {  	(tm) =	ssettm $0x7FFFFFFF  }
0xc3: {  	_ =	shalt  }
tec
execute0_lowered:
.L_overlay_start_1:
0x0: {  	(tag) =	ssettag $0x1  }
0x1: {  	s4 =	rddreg [dreg:$0x0]  }
0x2: {  	s6 =	rddreg [dreg:$0x1];
	s2 =	simm.s32 $0x0  }
0x3: {  	s8 =	simm.s32 $0xD800;
	[smem:$0x7FF] =	sst s2  }
0x4: {  	s9 =	simm.s32 $0xE000;
	_ =	strace $0x80000047;
	[dreg:$0x8] =	wrdreg s8  }
0x5: {  	s11 =	simm.s32 $0xE800;
	[dreg:$0x9] =	wrdreg s9  }
0x6: {  	s12 =	simm.s32 $0xF000;
	[dreg:$0xa] =	wrdreg s11  }
0x7: {  	s13 =	simm.s32 $0xF800;
	[dreg:$0xb] =	wrdreg s12  }
0x8: {  	s14 =	simm.s32 $0x10000;
	[dreg:$0xc] =	wrdreg s13  }
0x9: {  	s1 =	srdreg.scid;
	s15 =	simm.s32 $0x11000;
	[dreg:$0xd] =	wrdreg s14  }
0xa: {  	s0 =	stileid.u32;
	s16 =	simm.s32 $0x11800;
	[dreg:$0xe] =	wrdreg s15  }
0xb: {  	s17 =	simm.s32 $0x12000;
	s19 =	simm.s32 $0x12800;
	[dreg:$0xf] =	wrdreg s16  }
0xc: {  	s20 =	simm.s32 $0x13000;
	s22 =	simm.s32 $0x13800;
	[dreg:$0x10] =	wrdreg s17  }
0xd: {  	s23 =	simm.s32 $0x14000;
	s24 =	simm.s32 $0x15000;
	[dreg:$0x11] =	wrdreg s19  }
0xe: {  	s28 =	simm.s32 $0x7;
	s29 =	simm.s32 $0x8;
	[dreg:$0x12] =	wrdreg s20  }
0xf: {  	s30 =	simm.s32 $0x0;
	s1 =	sand.u32 $0x1, s1;
	[dreg:$0x13] =	wrdreg s22  }
0x10: {  	s3 =	smul.u32 $0xC80000, s0;
	s10 =	sshll.u32 s0, $0x1;
	[dreg:$0x14] =	wrdreg s23  }
0x11: {  	s5 =	smul.u32 $0x640000, s1;
	[dreg:$0x15] =	wrdreg s24;
	s8 =	simm.s32 $0x10800  }
0x12: {  	s9 =	simm.s32 $0x14800;
	s11 =	simm.s32 $0x17800;
	s12 =	simm.s32 $0x18000  }
0x13: {  	s13 =	simm.s32 $0x18800;
	s14 =	simm.s32 $0x19000;
	s15 =	simm.s32 $0x19800  }
0x14: {  	s16 =	simm.s32 $0x1A000;
	s17 =	simm.s32 $0x1A800;
	s19 =	simm.s32 $0x1B800  }
0x15: {  	s20 =	simm.s32 $0x1C000;
	s22 =	simm.s32 $0x2;
	s3 =	sadd.s32 s5, s3  }
0x16: {  	s23 =	simm.s32 $0x3;
	s5 =	sshrl.u32 s3, $0x3;
	s7 =	sor.u32 $0x4000, s3  }
0x17: {  	s26 =	sor.u32 $0x8000, s3;
	s5 =	sadd.s32 s5, s6;
	s25 =	sshrl.u32 s7, $0x3  }
0x18: {  	s7 =	sshrl.u32 s26, $0x3;
	s26 =	simm.s32 $0x16000;
	[dreg:$0x3] =	wrdreg s5  }
0x19: {  	s3 =	sor.u32 $0xC000, s3;
	s5 =	sadd.s32 s25, s6;
	[dreg:$0x17] =	wrdreg s26  }
0x1a: {  	s3 =	sshrl.u32 s3, $0x3;
	s31 =	sadd.s32 s7, s6;
	[dreg:$0x4] =	wrdreg s5  }
0x1b: {  	s24 =	simm.s32 $0x4;
	s3 =	sadd.s32 s3, s6;
	[dreg:$0x5] =	wrdreg s31  }
0x1c: {  	s7 =	simm.s32 $0xD000;
	s6 =	simm.s32 $0x9;
	[dreg:$0x6] =	wrdreg s3  }
0x1d: {  	s25 =	simm.s32 $0x15800;
	s26 =	simm.s32 $0x6;
	[dreg:$0x7] =	wrdreg s7  }
0x1e: {  	s5 =	sor.u32 s1, s10;
	s3 =	sadd.s32 $0x1C00, s4;
	s1 =	ssub.s32 $0x2, s1  }
0x1f: {  	s7 =	simm.s32 $0xC800;
	[dreg:$0x16] =	wrdreg s25;
	s5 =	smul.u32 $0x1900, s5  }
0x20: {  	s31 =	simm.s32 $0x16800;
	s10 =	simm.s32 $0x17000;
	s25 =	simm.s32 $0x5  }
0x21: {  	v2 =	vlaneseq.u32;
	s18 =	sshrl.u32 s1, $0x1;
	[dreg:$0x18] =	wrdreg s31;
	s5 =	sadd.s32 s5, s4  }
0x22: {  	vm0 =	vmmov $0xffff;
	v1 =	vshrl.u32 v2, $0x3;
	s1 =	ssub.s32 s1, s18;
	s18 =	simm.s32 $0x1B000;
	s21 =	sadd.s32 $0x27C00, s5  }
0x23: {  	v0 =	vand.u32 $0x7, v2;
	v2 =	vor.u32 $0x8, v2;
	v1 =	vmul.u32 $0x8, v1;
	s5 =	smax.u32 s1, $0x1;
	[dreg:$0x19] =	wrdreg s21;
	s21 =	simm.s32 $0x1  }
.LBB2_1:
0x24: {  	s0 =	rddreg [dreg:$0x19]  }
0x25: {  	[tilespmem:s2], [sflag:$0x9] =	stream.linear.gather [hbm4b:s0+s2], $0xC800, $0x38;
	[tilespmem:$0x1C800] =	vst v63  }
0x26: {  	_ =	swait.ge [sflag:s6], $0xC800  }
0x27: {  	[sflag:s6] =	ssyncset.done $0x0  }
0x28: {  	s31 =	simm.s32 $0x100;
	s1 =	simm.s32 $0x0;
	[sflag:s6] =	ssyncadd.s32 $0xFFFF3800  }
.LBB2_2:
0x29: {  	p0 =	seq.s32 s1, $0x0  }
0x2a: {  	s0 =	simm.s32 @!p0 $0x5  }
0x2b: {  	_ =	swait.ge @!p0 [sflag:s0], $0x4000  }
0x2c: {  	[sflag:s0] =	ssyncset.done @!p0 $0x0  }
0x2d: {  	[sflag:s0] =	ssyncadd.s32 @!p0 $0xFFFFC000  }
0x2e: {  	v3 =	vld [tilespmem:s31+$0xFFFFFF00];
	_ =	sdelay $0x4  }
0x2f: {  	v4 =	vshll.u32 v3, $0x1  }
0x30: {  	v3 =	vand.u32 $0x7, v3;
	v4 =	vand.u32 $0xFFFFFFF0, v4  }
0x31: {  	v3 =	vor.u32 v3, v4  }
0x32: {  	v4 =	vperm.xlane v3, v0;
	_ =	sdelay $0x1  }
0x33: {  	v3 =	vperm.xlane v3, v2;
	v4 =	vadd.s32 v1, v4;
	_ =	sdelay $0x1  }
0x34: {  	v3 =	vadd.s32 v1, v3;
	_ =	sdelay $0x2  }
0x35: {  	[tilespmem:s7], [sflag:$0x1] =	stream.indirect_vreg.gather [hbm4b:s3+s2], $0x80, v4, vm0, $0xb8;
	[tilespmem:$0x1C800] =	vst v63  }
0x36: {  	s4 =	rddreg [dreg:$0x7]  }
0x37: {  	[tilespmem:s4], [sflag:$0x1] =	stream.indirect_vreg.gather [hbm4b:s3+s2], $0x80, v3, vm0, $0xb8;
	[tilespmem:$0x1C800] =	vst v63  }
0x38: {  	v3 =	vld [tilespmem:s31+$0xFFFFFF10];
	_ =	sdelay $0x4  }
0x39: {  	v49 =	vshll.u32 v3, $0x1  }
0x3a: {  	v3 =	vand.u32 $0x7, v3;
	v4 =	vand.u32 $0xFFFFFFF0, v49  }
0x3b: {  	v3 =	vor.u32 v3, v4  }
0x3c: {  	v4 =	vperm.xlane v3, v0;
	_ =	sdelay $0x1  }
0x3d: {  	v3 =	vperm.xlane v3, v2;
	v4 =	vadd.s32 v1, v4;
	_ =	sdelay $0x1  }
0x3e: {  	v3 =	vadd.s32 v1, v3;
	_ =	sdelay $0x1  }
0x3f: {  	s0 =	rddreg [dreg:$0x8]  }
0x40: {  	[tilespmem:s0], [sflag:$0x1] =	stream.indirect_vreg.gather [hbm4b:s3+s2], $0x80, v4, vm0, $0xb8;
	[tilespmem:$0x1C800] =	vst v63  }
0x41: {  	s4 =	rddreg [dreg:$0x9]  }
0x42: {  	[tilespmem:s4], [sflag:$0x1] =	stream.indirect_vreg.gather [hbm4b:s3+s2], $0x80, v3, vm0, $0xb8;
	[tilespmem:$0x1C800] =	vst v63  }
0x43: {  	v3 =	vld [tilespmem:s31+$0xFFFFFF20];
	_ =	sdelay $0x4  }
0x44: {  	v50 =	vshll.u32 v3, $0x1  }
0x45: {  	v3 =	vand.u32 $0x7, v3;
	v4 =	vand.u32 $0xFFFFFFF0, v50  }
0x46: {  	v3 =	vor.u32 v3, v4  }
0x47: {  	v4 =	vperm.xlane v3, v0;
	_ =	sdelay $0x1  }
0x48: {  	v3 =	vperm.xlane v3, v2;
	v4 =	vadd.s32 v1, v4;
	_ =	sdelay $0x1  }
0x49: {  	v3 =	vadd.s32 v1, v3;
	_ =	sdelay $0x1  }
0x4a: {  	s0 =	rddreg [dreg:$0xa]  }
0x4b: {  	[tilespmem:s0], [sflag:$0x1] =	stream.indirect_vreg.gather [hbm4b:s3+s2], $0x80, v4, vm0, $0xb8;
	[tilespmem:$0x1C800] =	vst v63  }
0x4c: {  	s4 =	rddreg [dreg:$0xb]  }
0x4d: {  	[tilespmem:s4], [sflag:$0x1] =	stream.indirect_vreg.gather [hbm4b:s3+s2], $0x80, v3, vm0, $0xb8;
	[tilespmem:$0x1C800] =	vst v63  }
0x4e: {  	v3 =	vld [tilespmem:s31+$0xFFFFFF30];
	_ =	sdelay $0x4  }
0x4f: {  	v51 =	vshll.u32 v3, $0x1  }
0x50: {  	v3 =	vand.u32 $0x7, v3;
	v4 =	vand.u32 $0xFFFFFFF0, v51  }
0x51: {  	v3 =	vor.u32 v3, v4  }
0x52: {  	v4 =	vperm.xlane v3, v0;
	_ =	sdelay $0x1  }
0x53: {  	v3 =	vperm.xlane v3, v2;
	v4 =	vadd.s32 v1, v4;
	_ =	sdelay $0x1  }
0x54: {  	v3 =	vadd.s32 v1, v3;
	_ =	sdelay $0x1  }
0x55: {  	s0 =	rddreg [dreg:$0xc]  }
0x56: {  	[tilespmem:s0], [sflag:$0x1] =	stream.indirect_vreg.gather [hbm4b:s3+s2], $0x80, v4, vm0, $0xb8;
	[tilespmem:$0x1C800] =	vst v63  }
0x57: {  	s4 =	rddreg [dreg:$0xd];
	s0 =	simm.s32 @!p0 $0x6  }
0x58: {  	[tilespmem:s4], [sflag:$0x1] =	stream.indirect_vreg.gather [hbm4b:s3+s2], $0x80, v3, vm0, $0xb8;
	[tilespmem:$0x1C800] =	vst v63  }
0x59: {  	_ =	swait.ge @!p0 [sflag:s0], $0x4000  }
0x5a: {  	[sflag:s0] =	ssyncset.done @!p0 $0x0  }
0x5b: {  	[sflag:s0] =	ssyncadd.s32 @!p0 $0xFFFFC000  }
0x5c: {  	v3 =	vld [tilespmem:s31+$0xFFFFFF80];
	_ =	sdelay $0x4  }
0x5d: {  	v52 =	vshll.u32 v3, $0x1  }
0x5e: {  	v3 =	vand.u32 $0x7, v3;
	v4 =	vand.u32 $0xFFFFFFF0, v52  }
0x5f: {  	v3 =	vor.u32 v3, v4  }
0x60: {  	v4 =	vperm.xlane v3, v0;
	_ =	sdelay $0x1  }
0x61: {  	v3 =	vperm.xlane v3, v2;
	v4 =	vadd.s32 v1, v4;
	_ =	sdelay $0x1  }
0x62: {  	v3 =	vadd.s32 v1, v3;
	_ =	sdelay $0x2  }
0x63: {  	[tilespmem:s8], [sflag:$0x2] =	stream.indirect_vreg.gather [hbm4b:s3+s2], $0x80, v4, vm0, $0xb8;
	[tilespmem:$0x1C800] =	vst v63  }
0x64: {  	s4 =	rddreg [dreg:$0xe]  }
0x65: {  	[tilespmem:s4], [sflag:$0x2] =	stream.indirect_vreg.gather [hbm4b:s3+s2], $0x80, v3, vm0, $0xb8;
	[tilespmem:$0x1C800] =	vst v63  }
0x66: {  	v3 =	vld [tilespmem:s31+$0xFFFFFF90];
	_ =	sdelay $0x4  }
0x67: {  	v53 =	vshll.u32 v3, $0x1  }
0x68: {  	v3 =	vand.u32 $0x7, v3;
	v4 =	vand.u32 $0xFFFFFFF0, v53  }
0x69: {  	v3 =	vor.u32 v3, v4  }
0x6a: {  	v4 =	vperm.xlane v3, v0;
	_ =	sdelay $0x1  }
0x6b: {  	v3 =	vperm.xlane v3, v2;
	v4 =	vadd.s32 v1, v4;
	_ =	sdelay $0x1  }
0x6c: {  	v3 =	vadd.s32 v1, v3;
	_ =	sdelay $0x1  }
0x6d: {  	s0 =	rddreg [dreg:$0xf]  }
0x6e: {  	[tilespmem:s0], [sflag:$0x2] =	stream.indirect_vreg.gather [hbm4b:s3+s2], $0x80, v4, vm0, $0xb8;
	[tilespmem:$0x1C800] =	vst v63  }
0x6f: {  	s4 =	rddreg [dreg:$0x10]  }
0x70: {  	[tilespmem:s4], [sflag:$0x2] =	stream.indirect_vreg.gather [hbm4b:s3+s2], $0x80, v3, vm0, $0xb8;
	[tilespmem:$0x1C800] =	vst v63  }
0x71: {  	v3 =	vld [tilespmem:s31+$0xFFFFFFA0];
	_ =	sdelay $0x4  }
0x72: {  	v54 =	vshll.u32 v3, $0x1  }
0x73: {  	v3 =	vand.u32 $0x7, v3;
	v4 =	vand.u32 $0xFFFFFFF0, v54  }
0x74: {  	v3 =	vor.u32 v3, v4  }
0x75: {  	v4 =	vperm.xlane v3, v0;
	_ =	sdelay $0x1  }
0x76: {  	v3 =	vperm.xlane v3, v2;
	v4 =	vadd.s32 v1, v4;
	_ =	sdelay $0x1  }
0x77: {  	v3 =	vadd.s32 v1, v3;
	_ =	sdelay $0x1  }
0x78: {  	s0 =	rddreg [dreg:$0x11]  }
0x79: {  	[tilespmem:s0], [sflag:$0x2] =	stream.indirect_vreg.gather [hbm4b:s3+s2], $0x80, v4, vm0, $0xb8;
	[tilespmem:$0x1C800] =	vst v63  }
0x7a: {  	s4 =	rddreg [dreg:$0x12]  }
0x7b: {  	[tilespmem:s4], [sflag:$0x2] =	stream.indirect_vreg.gather [hbm4b:s3+s2], $0x80, v3, vm0, $0xb8;
	[tilespmem:$0x1C800] =	vst v63  }
0x7c: {  	v3 =	vld [tilespmem:s31+$0xFFFFFFB0];
	_ =	sdelay $0x4  }
0x7d: {  	v55 =	vshll.u32 v3, $0x1  }
0x7e: {  	v3 =	vand.u32 $0x7, v3;
	v4 =	vand.u32 $0xFFFFFFF0, v55  }
0x7f: {  	v3 =	vor.u32 v3, v4  }
0x80: {  	v4 =	vperm.xlane v3, v0;
	_ =	sdelay $0x1  }
0x81: {  	v3 =	vperm.xlane v3, v2;
	v4 =	vadd.s32 v1, v4;
	_ =	sdelay $0x1  }
0x82: {  	v3 =	vadd.s32 v1, v3;
	_ =	sdelay $0x1  }
0x83: {  	s0 =	rddreg [dreg:$0x13]  }
0x84: {  	[tilespmem:s0], [sflag:$0x2] =	stream.indirect_vreg.gather [hbm4b:s3+s2], $0x80, v4, vm0, $0xb8;
	[tilespmem:$0x1C800] =	vst v63  }
0x85: {  	s4 =	rddreg [dreg:$0x14];
	s0 =	simm.s32 @!p0 $0x7  }
0x86: {  	[tilespmem:s4], [sflag:$0x2] =	stream.indirect_vreg.gather [hbm4b:s3+s2], $0x80, v3, vm0, $0xb8;
	[tilespmem:$0x1C800] =	vst v63  }
0x87: {  	_ =	swait.ge @!p0 [sflag:s0], $0x4000  }
0x88: {  	[sflag:s0] =	ssyncset.done @!p0 $0x0  }
0x89: {  	[sflag:s0] =	ssyncadd.s32 @!p0 $0xFFFFC000  }
0x8a: {  	v3 =	vld [tilespmem:s31+$0x0];
	_ =	sdelay $0x4  }
0x8b: {  	v56 =	vshll.u32 v3, $0x1  }
0x8c: {  	v3 =	vand.u32 $0x7, v3;
	v4 =	vand.u32 $0xFFFFFFF0, v56  }
0x8d: {  	v3 =	vor.u32 v3, v4  }
0x8e: {  	v4 =	vperm.xlane v3, v0;
	_ =	sdelay $0x1  }
0x8f: {  	v3 =	vperm.xlane v3, v2;
	v4 =	vadd.s32 v1, v4;
	_ =	sdelay $0x1  }
0x90: {  	v3 =	vadd.s32 v1, v3;
	_ =	sdelay $0x2  }
0x91: {  	[tilespmem:s9], [sflag:$0x3] =	stream.indirect_vreg.gather [hbm4b:s3+s2], $0x80, v4, vm0, $0xb8;
	[tilespmem:$0x1C800] =	vst v63  }
0x92: {  	s4 =	rddreg [dreg:$0x15]  }
0x93: {  	[tilespmem:s4], [sflag:$0x3] =	stream.indirect_vreg.gather [hbm4b:s3+s2], $0x80, v3, vm0, $0xb8;
	[tilespmem:$0x1C800] =	vst v63  }
0x94: {  	v3 =	vld [tilespmem:s31+$0x10];
	_ =	sdelay $0x4  }
0x95: {  	v57 =	vshll.u32 v3, $0x1  }
0x96: {  	v3 =	vand.u32 $0x7, v3;
	v4 =	vand.u32 $0xFFFFFFF0, v57  }
0x97: {  	v3 =	vor.u32 v3, v4  }
0x98: {  	v4 =	vperm.xlane v3, v0;
	_ =	sdelay $0x1  }
0x99: {  	v3 =	vperm.xlane v3, v2;
	v4 =	vadd.s32 v1, v4;
	_ =	sdelay $0x1  }
0x9a: {  	v3 =	vadd.s32 v1, v3;
	_ =	sdelay $0x1  }
0x9b: {  	s0 =	rddreg [dreg:$0x16]  }
0x9c: {  	[tilespmem:s0], [sflag:$0x3] =	stream.indirect_vreg.gather [hbm4b:s3+s2], $0x80, v4, vm0, $0xb8;
	[tilespmem:$0x1C800] =	vst v63  }
0x9d: {  	s4 =	rddreg [dreg:$0x17]  }
0x9e: {  	[tilespmem:s4], [sflag:$0x3] =	stream.indirect_vreg.gather [hbm4b:s3+s2], $0x80, v3, vm0, $0xb8;
	[tilespmem:$0x1C800] =	vst v63  }
0x9f: {  	v3 =	vld [tilespmem:s31+$0x20];
	_ =	sdelay $0x4  }
0xa0: {  	v58 =	vshll.u32 v3, $0x1  }
0xa1: {  	v3 =	vand.u32 $0x7, v3;
	v4 =	vand.u32 $0xFFFFFFF0, v58  }
0xa2: {  	v3 =	vor.u32 v3, v4  }
0xa3: {  	v4 =	vperm.xlane v3, v0;
	_ =	sdelay $0x1  }
0xa4: {  	v3 =	vperm.xlane v3, v2;
	v4 =	vadd.s32 v1, v4;
	_ =	sdelay $0x1  }
0xa5: {  	v3 =	vadd.s32 v1, v3;
	_ =	sdelay $0x1  }
0xa6: {  	s4 =	rddreg [dreg:$0x18]  }
0xa7: {  	[tilespmem:s4], [sflag:$0x3] =	stream.indirect_vreg.gather [hbm4b:s3+s2], $0x80, v4, vm0, $0xb8;
	[tilespmem:$0x1C800] =	vst v63  }
0xa8: {  	_ = 	snop  }
0xa9: {  	[tilespmem:s10], [sflag:$0x3] =	stream.indirect_vreg.gather [hbm4b:s3+s2], $0x80, v3, vm0, $0xb8;
	[tilespmem:$0x1C800] =	vst v63  }
0xaa: {  	v3 =	vld [tilespmem:s31+$0x30];
	_ =	sdelay $0x4  }
0xab: {  	v59 =	vshll.u32 v3, $0x1  }
0xac: {  	v3 =	vand.u32 $0x7, v3;
	v4 =	vand.u32 $0xFFFFFFF0, v59  }
0xad: {  	v3 =	vor.u32 v3, v4  }
0xae: {  	v4 =	vperm.xlane v3, v0;
	_ =	sdelay $0x1  }
0xaf: {  	v3 =	vperm.xlane v3, v2;
	v4 =	vadd.s32 v1, v4;
	_ =	sdelay $0x1  }
0xb0: {  	v3 =	vadd.s32 v1, v3;
	_ =	sdelay $0x2  }
0xb1: {  	[tilespmem:s11], [sflag:$0x3] =	stream.indirect_vreg.gather [hbm4b:s3+s2], $0x80, v4, vm0, $0xb8;
	[tilespmem:$0x1C800] =	vst v63  }
0xb2: {  	s0 =	simm.s32 @!p0 $0x8  }
0xb3: {  	[tilespmem:s12], [sflag:$0x3] =	stream.indirect_vreg.gather [hbm4b:s3+s2], $0x80, v3, vm0, $0xb8;
	[tilespmem:$0x1C800] =	vst v63  }
0xb4: {  	_ =	swait.ge @!p0 [sflag:s0], $0x4000  }
0xb5: {  	[sflag:s0] =	ssyncset.done @!p0 $0x0  }
0xb6: {  	[sflag:s0] =	ssyncadd.s32 @!p0 $0xFFFFC000  }
0xb7: {  	v3 =	vld [tilespmem:s31+$0x80];
	_ =	sdelay $0x4  }
0xb8: {  	v60 =	vshll.u32 v3, $0x1  }
0xb9: {  	v3 =	vand.u32 $0x7, v3;
	v4 =	vand.u32 $0xFFFFFFF0, v60  }
0xba: {  	v3 =	vor.u32 v3, v4  }
0xbb: {  	v4 =	vperm.xlane v3, v0;
	_ =	sdelay $0x1  }
0xbc: {  	v3 =	vperm.xlane v3, v2;
	v4 =	vadd.s32 v1, v4;
	_ =	sdelay $0x1  }
0xbd: {  	v3 =	vadd.s32 v1, v3;
	_ =	sdelay $0x2  }
0xbe: {  	[tilespmem:s13], [sflag:$0x4] =	stream.indirect_vreg.gather [hbm4b:s3+s2], $0x80, v4, vm0, $0xb8;
	[tilespmem:$0x1C800] =	vst v63  }
0xbf: {  	_ = 	snop  }
0xc0: {  	[tilespmem:s14], [sflag:$0x4] =	stream.indirect_vreg.gather [hbm4b:s3+s2], $0x80, v3, vm0, $0xb8;
	[tilespmem:$0x1C800] =	vst v63  }
0xc1: {  	v3 =	vld [tilespmem:s31+$0x90];
	_ =	sdelay $0x4  }
0xc2: {  	v61 =	vshll.u32 v3, $0x1  }
0xc3: {  	v3 =	vand.u32 $0x7, v3;
	v4 =	vand.u32 $0xFFFFFFF0, v61  }
0xc4: {  	v3 =	vor.u32 v3, v4  }
0xc5: {  	v4 =	vperm.xlane v3, v0;
	_ =	sdelay $0x1  }
0xc6: {  	v3 =	vperm.xlane v3, v2;
	v4 =	vadd.s32 v1, v4;
	_ =	sdelay $0x1  }
0xc7: {  	v3 =	vadd.s32 v1, v3;
	_ =	sdelay $0x2  }
0xc8: {  	[tilespmem:s15], [sflag:$0x4] =	stream.indirect_vreg.gather [hbm4b:s3+s2], $0x80, v4, vm0, $0xb8;
	[tilespmem:$0x1C800] =	vst v63  }
0xc9: {  	_ = 	snop  }
0xca: {  	[tilespmem:s16], [sflag:$0x4] =	stream.indirect_vreg.gather [hbm4b:s3+s2], $0x80, v3, vm0, $0xb8;
	[tilespmem:$0x1C800] =	vst v63  }
0xcb: {  	v3 =	vld [tilespmem:s31+$0xA0];
	_ =	sdelay $0x4  }
0xcc: {  	v62 =	vshll.u32 v3, $0x1  }
0xcd: {  	v3 =	vand.u32 $0x7, v3;
	v4 =	vand.u32 $0xFFFFFFF0, v62  }
0xce: {  	v3 =	vor.u32 v3, v4  }
0xcf: {  	v4 =	vperm.xlane v3, v0;
	_ =	sdelay $0x1  }
0xd0: {  	v3 =	vperm.xlane v3, v2;
	v4 =	vadd.s32 v1, v4;
	_ =	sdelay $0x1  }
0xd1: {  	v3 =	vadd.s32 v1, v3;
	_ =	sdelay $0x2  }
0xd2: {  	[tilespmem:s17], [sflag:$0x4] =	stream.indirect_vreg.gather [hbm4b:s3+s2], $0x80, v4, vm0, $0xb8;
	[tilespmem:$0x1C800] =	vst v63  }
0xd3: {  	_ = 	snop  }
0xd4: {  	[tilespmem:s18], [sflag:$0x4] =	stream.indirect_vreg.gather [hbm4b:s3+s2], $0x80, v3, vm0, $0xb8;
	[tilespmem:$0x1C800] =	vst v63  }
0xd5: {  	v3 =	vld [tilespmem:s31+$0xB0];
	_ =	sdelay $0x4  }
0xd6: {  	v63 =	vshll.u32 v3, $0x1  }
0xd7: {  	v3 =	vand.u32 $0x7, v3;
	v4 =	vand.u32 $0xFFFFFFF0, v63  }
0xd8: {  	v3 =	vor.u32 v3, v4  }
0xd9: {  	v4 =	vperm.xlane v3, v0;
	_ =	sdelay $0x1  }
0xda: {  	v3 =	vperm.xlane v3, v2;
	v4 =	vadd.s32 v1, v4;
	_ =	sdelay $0x1  }
0xdb: {  	v3 =	vadd.s32 v1, v3;
	_ =	sdelay $0x2  }
0xdc: {  	[tilespmem:s19], [sflag:$0x4] =	stream.indirect_vreg.gather [hbm4b:s3+s2], $0x80, v4, vm0, $0xb8;
	[tilespmem:$0x1C800] =	vst v63  }
0xdd: {  	_ = 	snop  }
0xde: {  	[tilespmem:s20], [sflag:$0x4] =	stream.indirect_vreg.gather [hbm4b:s3+s2], $0x80, v3, vm0, $0xb8;
	[tilespmem:$0x1C800] =	vst v63  }
0xdf: {  	_ =	swait.ge [sflag:s21], $0x4000  }
0xe0: {  	s4 =	rddreg [dreg:$0x3];
	[sflag:s21] =	ssyncset.done $0x0  }
0xe1: {  	[sflag:s21] =	ssyncadd.s32 $0xFFFFC000;
	s0 =	sadd.s32 s1, s4  }
0xe2: {  	[hbm4b:s0+s2] =	stream.linear.scatter [tilespmem:s7], [sflag:$0x5], $0x4000, $0x38;
	[tilespmem:$0x1C800] =	vst v63  }
0xe3: {  	_ =	swait.ge [sflag:s22], $0x4000  }
0xe4: {  	s4 =	rddreg [dreg:$0x4];
	[sflag:s22] =	ssyncset.done $0x0  }
0xe5: {  	[sflag:s22] =	ssyncadd.s32 $0xFFFFC000;
	s0 =	sadd.s32 s1, s4  }
0xe6: {  	[hbm4b:s0+s2] =	stream.linear.scatter [tilespmem:s8], [sflag:$0x6], $0x4000, $0x38;
	[tilespmem:$0x1C800] =	vst v63  }
0xe7: {  	_ =	swait.ge [sflag:s23], $0x4000  }
0xe8: {  	s4 =	rddreg [dreg:$0x5];
	[sflag:s23] =	ssyncset.done $0x0  }
0xe9: {  	[sflag:s23] =	ssyncadd.s32 $0xFFFFC000;
	s0 =	sadd.s32 s1, s4  }
0xea: {  	[hbm4b:s0+s2] =	stream.linear.scatter [tilespmem:s9], [sflag:$0x7], $0x4000, $0x38;
	[tilespmem:$0x1C800] =	vst v63  }
0xeb: {  	_ =	swait.ge [sflag:s24], $0x4000  }
0xec: {  	s4 =	rddreg [dreg:$0x6]  }
0xed: {  	s0 =	sadd.s32 s1, s4;
	s1 =	sadd.s32 $0x2000, s1  }
0xee: {  	p0 =	sne.s32 s1, $0xC8000  }
.Ltmp0:
0xef: {  	_ = 	snop;
	(pc) =	sbr.rel @p0 .LBB2_2-.Ltmp0, $4  }
0xf0: {  	_ = 	snop  }
0xf1: {  	[sflag:s24] =	ssyncset.done $0x0  }
0xf2: {  	s31 =	sadd.s32 $0x200, s31;
	[sflag:s24] =	ssyncadd.s32 $0xFFFFC000  }
0xf3: {  	[hbm4b:s0+s2] =	stream.linear.scatter [tilespmem:s13], [sflag:$0x8], $0x4000, $0x38;
	[tilespmem:$0x1C800] =	vst v63  }
0xf4: {  	_ =	swait.ge [sflag:s25], $0x4000  }
0xf5: {  	[sflag:s25] =	ssyncset.done $0x0  }
0xf6: {  	[sflag:s25] =	ssyncadd.s32 $0xFFFFC000  }
0xf7: {  	_ =	swait.ge [sflag:s26], $0x4000  }
0xf8: {  	[sflag:s26] =	ssyncset.done $0x0  }
0xf9: {  	s30 =	sadd.s32 $0x1, s30;
	[sflag:s26] =	ssyncadd.s32 $0xFFFFC000  }
0xfa: {  	p0 =	sne.s32 s30, s5;
	_ =	swait.ge [sflag:s28], $0x4000  }
.Ltmp1:
0xfb: {  	[sflag:s28] =	ssyncset.done $0x0;
	(pc) =	sbr.rel @p0 .LBB2_1-.Ltmp1, $4  }
0xfc: {  	[sflag:s28] =	ssyncadd.s32 $0xFFFFC000  }
0xfd: {  	_ =	swait.ge [sflag:s29], $0x4000  }
0xfe: {  	[sflag:s29] =	ssyncset.done $0x0  }
0xff: {  	[sflag:s29] =	ssyncadd.s32 $0xFFFFC000  }
0x100: {  	_ =	sfence.sel $0x180000  }
0x101: {  	[bflag:$0x0] =	sbarrier.arrive $0xFFFF  }
0x102: {  	_ =	strace $0x90000047  }
0x103: {  	s0 =	stileid.u32;
	[bflag:$0x2] =	sbarrier.arrive $0xFFFF  }
0x104: {  	p0 =	sne.s32 s0, $0x0;
	s0 =	rddreg [dreg:$0x2]  }
0x105: {  	s0 =	sadd.s32 @!p0 $0x100000, s0  }
0x106: {  	[sflag:s0] =	ssyncadd.tile.s32 @!p0 $0x1;
	_ =	shalt  }
.Lfunc_end2:
_tile_overlayer_lowered:
.L_overlay_start_2:
0x107: {  	(tag) =	ssettag $0x2  }
0x108: {  	s0 =	rddreg [dreg:$0x0];
	s2 =	stileid.u32  }
0x109: {  	s1 =	rddreg [dreg:$0x1];
	p0 =	sne.s32 s2, $0x0  }
0x10a: {  	s3 =	rddreg [dreg:$0x2];
	[bflag:$0x3] =	sbarrier.arrive $0xFFFF;
	s2 =	simm.s32 @!p0 $0x1C09  }
0x10b: {  	[timem:s3], [sflag:s2] =	dma.local @!p0 [hbm:s0], s1  }
0x10c: {  	s0 =	simm.s32 @!p0 $0x9  }
0x10d: {  	_ =	swait.ge @!p0 [sflag:s0], s1  }
0x10e: {  	s1 =	ssub.s32 @!p0 $0x0, s1;
	[sflag:s0] =	ssyncset.done @!p0 $0x0  }
0x10f: {  	[sflag:s0] =	ssyncadd.s32 @!p0 s1  }
0x110: {  	[bflag:$0x3] =	sbarrier.arrive $0xFFFF  }
0x111: {  	_ =	shalt  }

</sc_bundles>
